<compile_context>
chip_gen: v7x
topology: tpu7x:2x2x1
jax: 0.10.2.dev20260603
libtpu: 0.0.44.dev20260713+nightly
codegen_flags: <defaults>
</compile_context>

<pallas_src>
import functools
import jax
import jax.numpy as jnp
from jax import lax
from jax.experimental import pallas as pl
from jax.experimental.pallas import tpu as pltpu
from jax.experimental.pallas import tpu_sc as plsc

_EMB_D = 768
_BB = 2048
_NW = 32
_RREP = 128
_SHROWS = 512


def _copy_body(x_ref, xc_ref):
    xc_ref[...] = x_ref[...]


def _make_sc_broadcast(B):
    rows_per_w = B // _NW
    mesh = plsc.VectorSubcoreMesh(core_axis_name="c", subcore_axis_name="s")

    @functools.partial(
        pl.kernel,
        mesh=mesh,
        out_type=jax.ShapeDtypeStruct((B, 1, _EMB_D), jnp.float32),
        scratch_types=[
            pltpu.VMEM((8,), jnp.int32),
            pltpu.VMEM((_RREP, 1, _EMB_D), jnp.float32),
            pltpu.VMEM_SHARED((_SHROWS, 1, _EMB_D), jnp.float32),
            pltpu.SemaphoreType.DMA,
        ],
    )
    def sc_broadcast(pool_hbm, idx_hbm, out_hbm, idx_v, rows_v, shared, sem):
        cid = lax.axis_index("c")
        sid = lax.axis_index("s")
        base = cid * (B // 2) + sid * rows_per_w
        pltpu.sync_copy(idx_hbm, idx_v)
        pltpu.async_copy(pool_hbm.at[idx_v], rows_v.at[pl.ds(0, 8)], sem).wait()
        row = [rows_v[0, 0, pl.ds(16 * i, 16)] for i in range(_EMB_D // 16)]

        def _rep(r, carry):
            for i in range(_EMB_D // 16):
                rows_v[r, 0, pl.ds(16 * i, 16)] = row[i]
            return carry

        lax.fori_loop(8, _RREP, _rep, 0)

        @pl.when(sid < _SHROWS // _RREP)
        def _fill():
            pltpu.sync_copy(
                rows_v, shared.at[pl.ds(sid * _RREP, _RREP)])

        plsc.subcore_barrier()
        pltpu.async_copy(
            shared, out_hbm.at[pl.ds(base, rows_per_w)], sem).wait()

    return sc_broadcast


def kernel(x_querry, l, x_block, e_p, task_id):
    B = x_querry.shape[0]
    xc = pl.pallas_call(
        _copy_body,
        grid=(B // _BB,),
        in_specs=[pl.BlockSpec((_BB, _EMB_D), lambda i: (i, 0))],
        out_specs=pl.BlockSpec((_BB, _EMB_D), lambda i: (i, 0)),
        out_shape=jax.ShapeDtypeStruct((B, _EMB_D), jnp.float32),
    )(x_block)
    l_i = jnp.asarray(l, jnp.int32)
    valid = (l_i >= 0) & (l_i < 12)
    pool = jnp.concatenate(
        [e_p, jnp.full((1, 1, _EMB_D), jnp.nan, jnp.float32)], axis=0)
    sel = jnp.where(valid, jnp.asarray(task_id, jnp.int32), e_p.shape[0])
    idx = jnp.full((8,), sel, jnp.int32)
    P = _make_sc_broadcast(B)(pool, idx)
    return (P, xc)

# --- scband reference (transcript-rebuilt; emitter-appended) ---
"""Pipeline reference for scband-cpp-23235773072101 (READ-ONLY COPY).

The authoritative reference and input builder live on the scoring server;
editing this copy changes nothing except your own understanding.
"""

import jax, jax.numpy as jnp
import numpy as np

EMB_D = 768
E_P_LENGTH = 1
E_POOL_SIZE = 10
BATCH = 16384


def setup_inputs(seed: int = 0) -> dict:
    key = jax.random.key(seed)
    k1, k2, k3 = jax.random.split(key, 3)
    x_querry = jax.random.normal(k1, (BATCH, EMB_D), dtype=jnp.float32)
    x_block = jax.random.normal(k2, (BATCH, EMB_D), dtype=jnp.float32)
    # learned prompt pool for the selected layer l=5 (torch: uniform_ init)
    e_p = jax.random.uniform(k3, (E_POOL_SIZE, E_P_LENGTH, EMB_D), dtype=jnp.float32)
    return {"x_querry": x_querry, "l": 5, "x_block": x_block, "e_p": e_p, "task_id": 3}


def reference(x_querry, l, x_block, e_p, task_id):
    e_layers = np.arange(12)
    valid = jnp.isin(jnp.asarray(l), jnp.asarray(e_layers))
    B = x_querry.shape[0]
    # p[task_id] -> (e_p_length, emb_d); expand(B, -1, -1) -> (B, e_p_length, emb_d)
    P_ = jnp.broadcast_to(e_p[task_id][None, :, :], (B, e_p.shape[1], EMB_D))
    P_ = P_.reshape((B, -1, EMB_D))
    P_ = jnp.where(valid, P_, jnp.full_like(P_, jnp.nan))
    # original returns ([P_], 0, x_block); return the tensor outputs
    return (P_, x_block)

if __name__ == "__main__":
    import jax
    _d = setup_inputs()
    print(jax.jit(kernel)(*tuple(_d.values())))

</pallas_src>

<mosaic_0001>
#map = affine_map<(d0, d1) -> (0, 0, 0)>
#map1 = affine_map<(d0, d1) -> (0)>
module attributes {stable_mosaic.version = 14 : i64} {
  func.func @sc_broadcast(%arg0: i32, %arg1: i32, %arg2: memref<11x1x768xf32, #tpu.memory_space<hbm>>, %arg3: memref<8xi32, #tpu.memory_space<hbm>>, %arg4: memref<16384x1x768xf32, #tpu.memory_space<hbm>>, %arg5: memref<8xi32, #tpu.memory_space<vmem>>, %arg6: memref<128x1x768xf32, #tpu.memory_space<vmem>>, %arg7: memref<512x1x768xf32, #tpu.memory_space<vmem_shared>>, %arg8: memref<!tpu.dma_semaphore, #tpu.memory_space<semaphore_mem>>) attributes {dimension_semantics = [#tpu.dimension_semantics<core_parallel>, #tpu.dimension_semantics<subcore_parallel>], iteration_bounds = array<i64: 2, 16>, scalar_prefetch = 0 : i64, scratch_operands = 4 : i64, tpu.core_type = #tpu.core_type<sc_vector_subcore>, window_params = [{transform_indices = #map}, {transform_indices = #map1}, {transform_indices = #map}]} {
    %mul3A = arith.constant 8192 : i32
    %mul3A_0 = arith.muli %arg0, %mul3A : i32
    %mul3A_1 = arith.constant 512 : i32
    %mul3A_2 = arith.muli %arg1, %mul3A_1 : i32
    %add3A = arith.addi %mul3A_0, %mul3A_2 : i32
    "tpu.region"() ({
      %run_scoped3A = tpu.sem_alloc : memref<!tpu.dma_semaphore, #tpu.memory_space<semaphore_mem>>
      tpu.enqueue_dma source(%arg3 : memref<8xi32, #tpu.memory_space<hbm>>) target(%arg5 : memref<8xi32, #tpu.memory_space<vmem>>) target_semaphore(%run_scoped3A : memref<!tpu.dma_semaphore, #tpu.memory_space<semaphore_mem>>)
      tpu.wait_dma2 semaphore(%run_scoped3A : memref<!tpu.dma_semaphore, #tpu.memory_space<semaphore_mem>>) src(%arg3 : memref<8xi32, #tpu.memory_space<hbm>>) dst(%arg5 : memref<8xi32, #tpu.memory_space<vmem>>)
      tpu.yield
    }) : () -> ()
    %dma_start3A = arith.constant 0 : i32
    %dma_start3A_3 = arith.constant 0 : i32
    %dma_start3A_4 = arith.constant 0 : i32
    %dma_start3A_5 = tpu.memref_slice %arg6[%dma_start3A, %dma_start3A_3, %dma_start3A_4] : memref<128x1x768xf32, #tpu.memory_space<vmem>> -> memref<8x1x768xf32, #tpu.memory_space<vmem>>
    %dma_start3A_6 = arith.constant 0 : i32
    %dma_start3A_7 = arith.constant 0 : i32
    %dma_start3A_8 = arith.constant 0 : i32
    %dma_start3A_9 = tpu.memref_slice %arg2[%dma_start3A_6, %dma_start3A_7, %dma_start3A_8] : memref<11x1x768xf32, #tpu.memory_space<hbm>> -> memref<11x1x768xf32, #tpu.memory_space<hbm>>
    tpu.enqueue_indirect_dma source(%dma_start3A_9 : memref<11x1x768xf32, #tpu.memory_space<hbm>>) target(%dma_start3A_5 : memref<8x1x768xf32, #tpu.memory_space<vmem>>) offsets(%arg5 : memref<8xi32, #tpu.memory_space<vmem>>) semaphore(%arg8 : memref<!tpu.dma_semaphore, #tpu.memory_space<semaphore_mem>>)
    %dma_wait3A = arith.constant 0 : i32
    %dma_wait3A_10 = arith.constant 0 : i32
    %dma_wait3A_11 = arith.constant 0 : i32
    %dma_wait3A_12 = tpu.memref_slice %arg6[%dma_wait3A, %dma_wait3A_10, %dma_wait3A_11] : memref<128x1x768xf32, #tpu.memory_space<vmem>> -> memref<8x1x768xf32, #tpu.memory_space<vmem>>
    %dma_wait3A_13 = arith.constant 0 : i32
    %dma_wait3A_14 = arith.constant 0 : i32
    %dma_wait3A_15 = arith.constant 0 : i32
    %dma_wait3A_16 = tpu.memref_slice %arg2[%dma_wait3A_13, %dma_wait3A_14, %dma_wait3A_15] : memref<11x1x768xf32, #tpu.memory_space<hbm>> -> memref<11x1x768xf32, #tpu.memory_space<hbm>>
    tpu.wait_indirect_dma semaphore(%arg8 : memref<!tpu.dma_semaphore, #tpu.memory_space<semaphore_mem>>) src(%dma_wait3A_16 : memref<11x1x768xf32, #tpu.memory_space<hbm>>) dst(%dma_wait3A_12 : memref<8x1x768xf32, #tpu.memory_space<vmem>>)
    %get3A = arith.constant 0 : i32
    %get3A_17 = arith.constant 0 : i32
    %get3A_18 = arith.index_cast %get3A : i32 to index
    %get3A_19 = arith.index_cast %get3A_17 : i32 to index
    %get3A_20 = arith.constant 0 : index
    %get3A_21 = tpu.vector_load %arg6[%get3A_18, %get3A_19, %get3A_20] {strides = array<i32>} : memref<128x1x768xf32, #tpu.memory_space<vmem>>, vector<1x1x16xf32>,
    %get3A_22 = vector.shape_cast %get3A_21 : vector<1x1x16xf32> to vector<16xf32>
    %get3A_23 = arith.constant 0 : i32
    %get3A_24 = arith.constant 0 : i32
    %get3A_25 = arith.index_cast %get3A_23 : i32 to index
    %get3A_26 = arith.index_cast %get3A_24 : i32 to index
    %get3A_27 = arith.constant 16 : index
    %get3A_28 = tpu.vector_load %arg6[%get3A_25, %get3A_26, %get3A_27] {strides = array<i32>} : memref<128x1x768xf32, #tpu.memory_space<vmem>>, vector<1x1x16xf32>,
    %get3A_29 = vector.shape_cast %get3A_28 : vector<1x1x16xf32> to vector<16xf32>
    %get3A_30 = arith.constant 0 : i32
    %get3A_31 = arith.constant 0 : i32
    %get3A_32 = arith.index_cast %get3A_30 : i32 to index
    %get3A_33 = arith.index_cast %get3A_31 : i32 to index
    %get3A_34 = arith.constant 32 : index
    %get3A_35 = tpu.vector_load %arg6[%get3A_32, %get3A_33, %get3A_34] {strides = array<i32>} : memref<128x1x768xf32, #tpu.memory_space<vmem>>, vector<1x1x16xf32>,
    %get3A_36 = vector.shape_cast %get3A_35 : vector<1x1x16xf32> to vector<16xf32>
    %get3A_37 = arith.constant 0 : i32
    %get3A_38 = arith.constant 0 : i32
    %get3A_39 = arith.index_cast %get3A_37 : i32 to index
    %get3A_40 = arith.index_cast %get3A_38 : i32 to index
    %get3A_41 = arith.constant 48 : index
    %get3A_42 = tpu.vector_load %arg6[%get3A_39, %get3A_40, %get3A_41] {strides = array<i32>} : memref<128x1x768xf32, #tpu.memory_space<vmem>>, vector<1x1x16xf32>,
    %get3A_43 = vector.shape_cast %get3A_42 : vector<1x1x16xf32> to vector<16xf32>
    %get3A_44 = arith.constant 0 : i32
    %get3A_45 = arith.constant 0 : i32
    %get3A_46 = arith.index_cast %get3A_44 : i32 to index
    %get3A_47 = arith.index_cast %get3A_45 : i32 to index
    %get3A_48 = arith.constant 64 : index
    %get3A_49 = tpu.vector_load %arg6[%get3A_46, %get3A_47, %get3A_48] {strides = array<i32>} : memref<128x1x768xf32, #tpu.memory_space<vmem>>, vector<1x1x16xf32>,
    %get3A_50 = vector.shape_cast %get3A_49 : vector<1x1x16xf32> to vector<16xf32>
    %get3A_51 = arith.constant 0 : i32
    %get3A_52 = arith.constant 0 : i32
    %get3A_53 = arith.index_cast %get3A_51 : i32 to index
    %get3A_54 = arith.index_cast %get3A_52 : i32 to index
    %get3A_55 = arith.constant 80 : index
    %get3A_56 = tpu.vector_load %arg6[%get3A_53, %get3A_54, %get3A_55] {strides = array<i32>} : memref<128x1x768xf32, #tpu.memory_space<vmem>>, vector<1x1x16xf32>,
    %get3A_57 = vector.shape_cast %get3A_56 : vector<1x1x16xf32> to vector<16xf32>
    %get3A_58 = arith.constant 0 : i32
    %get3A_59 = arith.constant 0 : i32
    %get3A_60 = arith.index_cast %get3A_58 : i32 to index
    %get3A_61 = arith.index_cast %get3A_59 : i32 to index
    %get3A_62 = arith.constant 96 : index
    %get3A_63 = tpu.vector_load %arg6[%get3A_60, %get3A_61, %get3A_62] {strides = array<i32>} : memref<128x1x768xf32, #tpu.memory_space<vmem>>, vector<1x1x16xf32>,
    %get3A_64 = vector.shape_cast %get3A_63 : vector<1x1x16xf32> to vector<16xf32>
    %get3A_65 = arith.constant 0 : i32
    %get3A_66 = arith.constant 0 : i32
    %get3A_67 = arith.index_cast %get3A_65 : i32 to index
    %get3A_68 = arith.index_cast %get3A_66 : i32 to index
    %get3A_69 = arith.constant 112 : index
    %get3A_70 = tpu.vector_load %arg6[%get3A_67, %get3A_68, %get3A_69] {strides = array<i32>} : memref<128x1x768xf32, #tpu.memory_space<vmem>>, vector<1x1x16xf32>,
    %get3A_71 = vector.shape_cast %get3A_70 : vector<1x1x16xf32> to vector<16xf32>
    %get3A_72 = arith.constant 0 : i32
    %get3A_73 = arith.constant 0 : i32
    %get3A_74 = arith.index_cast %get3A_72 : i32 to index
    %get3A_75 = arith.index_cast %get3A_73 : i32 to index
    %get3A_76 = arith.constant 128 : index
    %get3A_77 = tpu.vector_load %arg6[%get3A_74, %get3A_75, %get3A_76] {strides = array<i32>} : memref<128x1x768xf32, #tpu.memory_space<vmem>>, vector<1x1x16xf32>,
    %get3A_78 = vector.shape_cast %get3A_77 : vector<1x1x16xf32> to vector<16xf32>
    %get3A_79 = arith.constant 0 : i32
    %get3A_80 = arith.constant 0 : i32
    %get3A_81 = arith.index_cast %get3A_79 : i32 to index
    %get3A_82 = arith.index_cast %get3A_80 : i32 to index
    %get3A_83 = arith.constant 144 : index
    %get3A_84 = tpu.vector_load %arg6[%get3A_81, %get3A_82, %get3A_83] {strides = array<i32>} : memref<128x1x768xf32, #tpu.memory_space<vmem>>, vector<1x1x16xf32>,
    %get3A_85 = vector.shape_cast %get3A_84 : vector<1x1x16xf32> to vector<16xf32>
    %get3A_86 = arith.constant 0 : i32
    %get3A_87 = arith.constant 0 : i32
    %get3A_88 = arith.index_cast %get3A_86 : i32 to index
    %get3A_89 = arith.index_cast %get3A_87 : i32 to index
    %get3A_90 = arith.constant 160 : index
    %get3A_91 = tpu.vector_load %arg6[%get3A_88, %get3A_89, %get3A_90] {strides = array<i32>} : memref<128x1x768xf32, #tpu.memory_space<vmem>>, vector<1x1x16xf32>,
    %get3A_92 = vector.shape_cast %get3A_91 : vector<1x1x16xf32> to vector<16xf32>
    %get3A_93 = arith.constant 0 : i32
    %get3A_94 = arith.constant 0 : i32
    %get3A_95 = arith.index_cast %get3A_93 : i32 to index
    %get3A_96 = arith.index_cast %get3A_94 : i32 to index
    %get3A_97 = arith.constant 176 : index
    %get3A_98 = tpu.vector_load %arg6[%get3A_95, %get3A_96, %get3A_97] {strides = array<i32>} : memref<128x1x768xf32, #tpu.memory_space<vmem>>, vector<1x1x16xf32>,
    %get3A_99 = vector.shape_cast %get3A_98 : vector<1x1x16xf32> to vector<16xf32>
    %get3A_100 = arith.constant 0 : i32
    %get3A_101 = arith.constant 0 : i32
    %get3A_102 = arith.index_cast %get3A_100 : i32 to index
    %get3A_103 = arith.index_cast %get3A_101 : i32 to index
    %get3A_104 = arith.constant 192 : index
    %get3A_105 = tpu.vector_load %arg6[%get3A_102, %get3A_103, %get3A_104] {strides = array<i32>} : memref<128x1x768xf32, #tpu.memory_space<vmem>>, vector<1x1x16xf32>,
    %get3A_106 = vector.shape_cast %get3A_105 : vector<1x1x16xf32> to vector<16xf32>
    %get3A_107 = arith.constant 0 : i32
    %get3A_108 = arith.constant 0 : i32
    %get3A_109 = arith.index_cast %get3A_107 : i32 to index
    %get3A_110 = arith.index_cast %get3A_108 : i32 to index
    %get3A_111 = arith.constant 208 : index
    %get3A_112 = tpu.vector_load %arg6[%get3A_109, %get3A_110, %get3A_111] {strides = array<i32>} : memref<128x1x768xf32, #tpu.memory_space<vmem>>, vector<1x1x16xf32>,
    %get3A_113 = vector.shape_cast %get3A_112 : vector<1x1x16xf32> to vector<16xf32>
    %get3A_114 = arith.constant 0 : i32
    %get3A_115 = arith.constant 0 : i32
    %get3A_116 = arith.index_cast %get3A_114 : i32 to index
    %get3A_117 = arith.index_cast %get3A_115 : i32 to index
    %get3A_118 = arith.constant 224 : index
    %get3A_119 = tpu.vector_load %arg6[%get3A_116, %get3A_117, %get3A_118] {strides = array<i32>} : memref<128x1x768xf32, #tpu.memory_space<vmem>>, vector<1x1x16xf32>,
    %get3A_120 = vector.shape_cast %get3A_119 : vector<1x1x16xf32> to vector<16xf32>
    %get3A_121 = arith.constant 0 : i32
    %get3A_122 = arith.constant 0 : i32
    %get3A_123 = arith.index_cast %get3A_121 : i32 to index
    %get3A_124 = arith.index_cast %get3A_122 : i32 to index
    %get3A_125 = arith.constant 240 : index
    %get3A_126 = tpu.vector_load %arg6[%get3A_123, %get3A_124, %get3A_125] {strides = array<i32>} : memref<128x1x768xf32, #tpu.memory_space<vmem>>, vector<1x1x16xf32>,
    %get3A_127 = vector.shape_cast %get3A_126 : vector<1x1x16xf32> to vector<16xf32>
    %get3A_128 = arith.constant 0 : i32
    %get3A_129 = arith.constant 0 : i32
    %get3A_130 = arith.index_cast %get3A_128 : i32 to index
    %get3A_131 = arith.index_cast %get3A_129 : i32 to index
    %get3A_132 = arith.constant 256 : index
    %get3A_133 = tpu.vector_load %arg6[%get3A_130, %get3A_131, %get3A_132] {strides = array<i32>} : memref<128x1x768xf32, #tpu.memory_space<vmem>>, vector<1x1x16xf32>,
    %get3A_134 = vector.shape_cast %get3A_133 : vector<1x1x16xf32> to vector<16xf32>
    %get3A_135 = arith.constant 0 : i32
    %get3A_136 = arith.constant 0 : i32
    %get3A_137 = arith.index_cast %get3A_135 : i32 to index
    %get3A_138 = arith.index_cast %get3A_136 : i32 to index
    %get3A_139 = arith.constant 272 : index
    %get3A_140 = tpu.vector_load %arg6[%get3A_137, %get3A_138, %get3A_139] {strides = array<i32>} : memref<128x1x768xf32, #tpu.memory_space<vmem>>, vector<1x1x16xf32>,
    %get3A_141 = vector.shape_cast %get3A_140 : vector<1x1x16xf32> to vector<16xf32>
    %get3A_142 = arith.constant 0 : i32
    %get3A_143 = arith.constant 0 : i32
    %get3A_144 = arith.index_cast %get3A_142 : i32 to index
    %get3A_145 = arith.index_cast %get3A_143 : i32 to index
    %get3A_146 = arith.constant 288 : index
    %get3A_147 = tpu.vector_load %arg6[%get3A_144, %get3A_145, %get3A_146] {strides = array<i32>} : memref<128x1x768xf32, #tpu.memory_space<vmem>>, vector<1x1x16xf32>,
    %get3A_148 = vector.shape_cast %get3A_147 : vector<1x1x16xf32> to vector<16xf32>
    %get3A_149 = arith.constant 0 : i32
    %get3A_150 = arith.constant 0 : i32
    %get3A_151 = arith.index_cast %get3A_149 : i32 to index
    %get3A_152 = arith.index_cast %get3A_150 : i32 to index
    %get3A_153 = arith.constant 304 : index
    %get3A_154 = tpu.vector_load %arg6[%get3A_151, %get3A_152, %get3A_153] {strides = array<i32>} : memref<128x1x768xf32, #tpu.memory_space<vmem>>, vector<1x1x16xf32>,
    %get3A_155 = vector.shape_cast %get3A_154 : vector<1x1x16xf32> to vector<16xf32>
    %get3A_156 = arith.constant 0 : i32
    %get3A_157 = arith.constant 0 : i32
    %get3A_158 = arith.index_cast %get3A_156 : i32 to index
    %get3A_159 = arith.index_cast %get3A_157 : i32 to index
    %get3A_160 = arith.constant 320 : index
    %get3A_161 = tpu.vector_load %arg6[%get3A_158, %get3A_159, %get3A_160] {strides = array<i32>} : memref<128x1x768xf32, #tpu.memory_space<vmem>>, vector<1x1x16xf32>,
    %get3A_162 = vector.shape_cast %get3A_161 : vector<1x1x16xf32> to vector<16xf32>
    %get3A_163 = arith.constant 0 : i32
    %get3A_164 = arith.constant 0 : i32
    %get3A_165 = arith.index_cast %get3A_163 : i32 to index
    %get3A_166 = arith.index_cast %get3A_164 : i32 to index
    %get3A_167 = arith.constant 336 : index
    %get3A_168 = tpu.vector_load %arg6[%get3A_165, %get3A_166, %get3A_167] {strides = array<i32>} : memref<128x1x768xf32, #tpu.memory_space<vmem>>, vector<1x1x16xf32>,
    %get3A_169 = vector.shape_cast %get3A_168 : vector<1x1x16xf32> to vector<16xf32>
    %get3A_170 = arith.constant 0 : i32
    %get3A_171 = arith.constant 0 : i32
    %get3A_172 = arith.index_cast %get3A_170 : i32 to index
    %get3A_173 = arith.index_cast %get3A_171 : i32 to index
    %get3A_174 = arith.constant 352 : index
    %get3A_175 = tpu.vector_load %arg6[%get3A_172, %get3A_173, %get3A_174] {strides = array<i32>} : memref<128x1x768xf32, #tpu.memory_space<vmem>>, vector<1x1x16xf32>,
    %get3A_176 = vector.shape_cast %get3A_175 : vector<1x1x16xf32> to vector<16xf32>
    %get3A_177 = arith.constant 0 : i32
    %get3A_178 = arith.constant 0 : i32
    %get3A_179 = arith.index_cast %get3A_177 : i32 to index
    %get3A_180 = arith.index_cast %get3A_178 : i32 to index
    %get3A_181 = arith.constant 368 : index
    %get3A_182 = tpu.vector_load %arg6[%get3A_179, %get3A_180, %get3A_181] {strides = array<i32>} : memref<128x1x768xf32, #tpu.memory_space<vmem>>, vector<1x1x16xf32>,
    %get3A_183 = vector.shape_cast %get3A_182 : vector<1x1x16xf32> to vector<16xf32>
    %get3A_184 = arith.constant 0 : i32
    %get3A_185 = arith.constant 0 : i32
    %get3A_186 = arith.index_cast %get3A_184 : i32 to index
    %get3A_187 = arith.index_cast %get3A_185 : i32 to index
    %get3A_188 = arith.constant 384 : index
    %get3A_189 = tpu.vector_load %arg6[%get3A_186, %get3A_187, %get3A_188] {strides = array<i32>} : memref<128x1x768xf32, #tpu.memory_space<vmem>>, vector<1x1x16xf32>,
    %get3A_190 = vector.shape_cast %get3A_189 : vector<1x1x16xf32> to vector<16xf32>
    %get3A_191 = arith.constant 0 : i32
    %get3A_192 = arith.constant 0 : i32
    %get3A_193 = arith.index_cast %get3A_191 : i32 to index
    %get3A_194 = arith.index_cast %get3A_192 : i32 to index
    %get3A_195 = arith.constant 400 : index
    %get3A_196 = tpu.vector_load %arg6[%get3A_193, %get3A_194, %get3A_195] {strides = array<i32>} : memref<128x1x768xf32, #tpu.memory_space<vmem>>, vector<1x1x16xf32>,
    %get3A_197 = vector.shape_cast %get3A_196 : vector<1x1x16xf32> to vector<16xf32>
    %get3A_198 = arith.constant 0 : i32
    %get3A_199 = arith.constant 0 : i32
    %get3A_200 = arith.index_cast %get3A_198 : i32 to index
    %get3A_201 = arith.index_cast %get3A_199 : i32 to index
    %get3A_202 = arith.constant 416 : index
    %get3A_203 = tpu.vector_load %arg6[%get3A_200, %get3A_201, %get3A_202] {strides = array<i32>} : memref<128x1x768xf32, #tpu.memory_space<vmem>>, vector<1x1x16xf32>,
    %get3A_204 = vector.shape_cast %get3A_203 : vector<1x1x16xf32> to vector<16xf32>
    %get3A_205 = arith.constant 0 : i32
    %get3A_206 = arith.constant 0 : i32
    %get3A_207 = arith.index_cast %get3A_205 : i32 to index
    %get3A_208 = arith.index_cast %get3A_206 : i32 to index
    %get3A_209 = arith.constant 432 : index
    %get3A_210 = tpu.vector_load %arg6[%get3A_207, %get3A_208, %get3A_209] {strides = array<i32>} : memref<128x1x768xf32, #tpu.memory_space<vmem>>, vector<1x1x16xf32>,
    %get3A_211 = vector.shape_cast %get3A_210 : vector<1x1x16xf32> to vector<16xf32>
    %get3A_212 = arith.constant 0 : i32
    %get3A_213 = arith.constant 0 : i32
    %get3A_214 = arith.index_cast %get3A_212 : i32 to index
    %get3A_215 = arith.index_cast %get3A_213 : i32 to index
    %get3A_216 = arith.constant 448 : index
    %get3A_217 = tpu.vector_load %arg6[%get3A_214, %get3A_215, %get3A_216] {strides = array<i32>} : memref<128x1x768xf32, #tpu.memory_space<vmem>>, vector<1x1x16xf32>,
    %get3A_218 = vector.shape_cast %get3A_217 : vector<1x1x16xf32> to vector<16xf32>
    %get3A_219 = arith.constant 0 : i32
    %get3A_220 = arith.constant 0 : i32
    %get3A_221 = arith.index_cast %get3A_219 : i32 to index
    %get3A_222 = arith.index_cast %get3A_220 : i32 to index
    %get3A_223 = arith.constant 464 : index
    %get3A_224 = tpu.vector_load %arg6[%get3A_221, %get3A_222, %get3A_223] {strides = array<i32>} : memref<128x1x768xf32, #tpu.memory_space<vmem>>, vector<1x1x16xf32>,
    %get3A_225 = vector.shape_cast %get3A_224 : vector<1x1x16xf32> to vector<16xf32>
    %get3A_226 = arith.constant 0 : i32
    %get3A_227 = arith.constant 0 : i32
    %get3A_228 = arith.index_cast %get3A_226 : i32 to index
    %get3A_229 = arith.index_cast %get3A_227 : i32 to index
    %get3A_230 = arith.constant 480 : index
    %get3A_231 = tpu.vector_load %arg6[%get3A_228, %get3A_229, %get3A_230] {strides = array<i32>} : memref<128x1x768xf32, #tpu.memory_space<vmem>>, vector<1x1x16xf32>,
    %get3A_232 = vector.shape_cast %get3A_231 : vector<1x1x16xf32> to vector<16xf32>
    %get3A_233 = arith.constant 0 : i32
    %get3A_234 = arith.constant 0 : i32
    %get3A_235 = arith.index_cast %get3A_233 : i32 to index
    %get3A_236 = arith.index_cast %get3A_234 : i32 to index
    %get3A_237 = arith.constant 496 : index
    %get3A_238 = tpu.vector_load %arg6[%get3A_235, %get3A_236, %get3A_237] {strides = array<i32>} : memref<128x1x768xf32, #tpu.memory_space<vmem>>, vector<1x1x16xf32>,
    %get3A_239 = vector.shape_cast %get3A_238 : vector<1x1x16xf32> to vector<16xf32>
    %get3A_240 = arith.constant 0 : i32
    %get3A_241 = arith.constant 0 : i32
    %get3A_242 = arith.index_cast %get3A_240 : i32 to index
    %get3A_243 = arith.index_cast %get3A_241 : i32 to index
    %get3A_244 = arith.constant 512 : index
    %get3A_245 = tpu.vector_load %arg6[%get3A_242, %get3A_243, %get3A_244] {strides = array<i32>} : memref<128x1x768xf32, #tpu.memory_space<vmem>>, vector<1x1x16xf32>,
    %get3A_246 = vector.shape_cast %get3A_245 : vector<1x1x16xf32> to vector<16xf32>
    %get3A_247 = arith.constant 0 : i32
    %get3A_248 = arith.constant 0 : i32
    %get3A_249 = arith.index_cast %get3A_247 : i32 to index
    %get3A_250 = arith.index_cast %get3A_248 : i32 to index
    %get3A_251 = arith.constant 528 : index
    %get3A_252 = tpu.vector_load %arg6[%get3A_249, %get3A_250, %get3A_251] {strides = array<i32>} : memref<128x1x768xf32, #tpu.memory_space<vmem>>, vector<1x1x16xf32>,
    %get3A_253 = vector.shape_cast %get3A_252 : vector<1x1x16xf32> to vector<16xf32>
    %get3A_254 = arith.constant 0 : i32
    %get3A_255 = arith.constant 0 : i32
    %get3A_256 = arith.index_cast %get3A_254 : i32 to index
    %get3A_257 = arith.index_cast %get3A_255 : i32 to index
    %get3A_258 = arith.constant 544 : index
    %get3A_259 = tpu.vector_load %arg6[%get3A_256, %get3A_257, %get3A_258] {strides = array<i32>} : memref<128x1x768xf32, #tpu.memory_space<vmem>>, vector<1x1x16xf32>,
    %get3A_260 = vector.shape_cast %get3A_259 : vector<1x1x16xf32> to vector<16xf32>
    %get3A_261 = arith.constant 0 : i32
    %get3A_262 = arith.constant 0 : i32
    %get3A_263 = arith.index_cast %get3A_261 : i32 to index
    %get3A_264 = arith.index_cast %get3A_262 : i32 to index
    %get3A_265 = arith.constant 560 : index
    %get3A_266 = tpu.vector_load %arg6[%get3A_263, %get3A_264, %get3A_265] {strides = array<i32>} : memref<128x1x768xf32, #tpu.memory_space<vmem>>, vector<1x1x16xf32>,
    %get3A_267 = vector.shape_cast %get3A_266 : vector<1x1x16xf32> to vector<16xf32>
    %get3A_268 = arith.constant 0 : i32
    %get3A_269 = arith.constant 0 : i32
    %get3A_270 = arith.index_cast %get3A_268 : i32 to index
    %get3A_271 = arith.index_cast %get3A_269 : i32 to index
    %get3A_272 = arith.constant 576 : index
    %get3A_273 = tpu.vector_load %arg6[%get3A_270, %get3A_271, %get3A_272] {strides = array<i32>} : memref<128x1x768xf32, #tpu.memory_space<vmem>>, vector<1x1x16xf32>,
    %get3A_274 = vector.shape_cast %get3A_273 : vector<1x1x16xf32> to vector<16xf32>
    %get3A_275 = arith.constant 0 : i32
    %get3A_276 = arith.constant 0 : i32
    %get3A_277 = arith.index_cast %get3A_275 : i32 to index
    %get3A_278 = arith.index_cast %get3A_276 : i32 to index
    %get3A_279 = arith.constant 592 : index
    %get3A_280 = tpu.vector_load %arg6[%get3A_277, %get3A_278, %get3A_279] {strides = array<i32>} : memref<128x1x768xf32, #tpu.memory_space<vmem>>, vector<1x1x16xf32>,
    %get3A_281 = vector.shape_cast %get3A_280 : vector<1x1x16xf32> to vector<16xf32>
    %get3A_282 = arith.constant 0 : i32
    %get3A_283 = arith.constant 0 : i32
    %get3A_284 = arith.index_cast %get3A_282 : i32 to index
    %get3A_285 = arith.index_cast %get3A_283 : i32 to index
    %get3A_286 = arith.constant 608 : index
    %get3A_287 = tpu.vector_load %arg6[%get3A_284, %get3A_285, %get3A_286] {strides = array<i32>} : memref<128x1x768xf32, #tpu.memory_space<vmem>>, vector<1x1x16xf32>,
    %get3A_288 = vector.shape_cast %get3A_287 : vector<1x1x16xf32> to vector<16xf32>
    %get3A_289 = arith.constant 0 : i32
    %get3A_290 = arith.constant 0 : i32
    %get3A_291 = arith.index_cast %get3A_289 : i32 to index
    %get3A_292 = arith.index_cast %get3A_290 : i32 to index
    %get3A_293 = arith.constant 624 : index
    %get3A_294 = tpu.vector_load %arg6[%get3A_291, %get3A_292, %get3A_293] {strides = array<i32>} : memref<128x1x768xf32, #tpu.memory_space<vmem>>, vector<1x1x16xf32>,
    %get3A_295 = vector.shape_cast %get3A_294 : vector<1x1x16xf32> to vector<16xf32>
    %get3A_296 = arith.constant 0 : i32
    %get3A_297 = arith.constant 0 : i32
    %get3A_298 = arith.index_cast %get3A_296 : i32 to index
    %get3A_299 = arith.index_cast %get3A_297 : i32 to index
    %get3A_300 = arith.constant 640 : index
    %get3A_301 = tpu.vector_load %arg6[%get3A_298, %get3A_299, %get3A_300] {strides = array<i32>} : memref<128x1x768xf32, #tpu.memory_space<vmem>>, vector<1x1x16xf32>,
    %get3A_302 = vector.shape_cast %get3A_301 : vector<1x1x16xf32> to vector<16xf32>
    %get3A_303 = arith.constant 0 : i32
    %get3A_304 = arith.constant 0 : i32
    %get3A_305 = arith.index_cast %get3A_303 : i32 to index
    %get3A_306 = arith.index_cast %get3A_304 : i32 to index
    %get3A_307 = arith.constant 656 : index
    %get3A_308 = tpu.vector_load %arg6[%get3A_305, %get3A_306, %get3A_307] {strides = array<i32>} : memref<128x1x768xf32, #tpu.memory_space<vmem>>, vector<1x1x16xf32>,
    %get3A_309 = vector.shape_cast %get3A_308 : vector<1x1x16xf32> to vector<16xf32>
    %get3A_310 = arith.constant 0 : i32
    %get3A_311 = arith.constant 0 : i32
    %get3A_312 = arith.index_cast %get3A_310 : i32 to index
    %get3A_313 = arith.index_cast %get3A_311 : i32 to index
    %get3A_314 = arith.constant 672 : index
    %get3A_315 = tpu.vector_load %arg6[%get3A_312, %get3A_313, %get3A_314] {strides = array<i32>} : memref<128x1x768xf32, #tpu.memory_space<vmem>>, vector<1x1x16xf32>,
    %get3A_316 = vector.shape_cast %get3A_315 : vector<1x1x16xf32> to vector<16xf32>
    %get3A_317 = arith.constant 0 : i32
    %get3A_318 = arith.constant 0 : i32
    %get3A_319 = arith.index_cast %get3A_317 : i32 to index
    %get3A_320 = arith.index_cast %get3A_318 : i32 to index
    %get3A_321 = arith.constant 688 : index
    %get3A_322 = tpu.vector_load %arg6[%get3A_319, %get3A_320, %get3A_321] {strides = array<i32>} : memref<128x1x768xf32, #tpu.memory_space<vmem>>, vector<1x1x16xf32>,
    %get3A_323 = vector.shape_cast %get3A_322 : vector<1x1x16xf32> to vector<16xf32>
    %get3A_324 = arith.constant 0 : i32
    %get3A_325 = arith.constant 0 : i32
    %get3A_326 = arith.index_cast %get3A_324 : i32 to index
    %get3A_327 = arith.index_cast %get3A_325 : i32 to index
    %get3A_328 = arith.constant 704 : index
    %get3A_329 = tpu.vector_load %arg6[%get3A_326, %get3A_327, %get3A_328] {strides = array<i32>} : memref<128x1x768xf32, #tpu.memory_space<vmem>>, vector<1x1x16xf32>,
    %get3A_330 = vector.shape_cast %get3A_329 : vector<1x1x16xf32> to vector<16xf32>
    %get3A_331 = arith.constant 0 : i32
    %get3A_332 = arith.constant 0 : i32
    %get3A_333 = arith.index_cast %get3A_331 : i32 to index
    %get3A_334 = arith.index_cast %get3A_332 : i32 to index
    %get3A_335 = arith.constant 720 : index
    %get3A_336 = tpu.vector_load %arg6[%get3A_333, %get3A_334, %get3A_335] {strides = array<i32>} : memref<128x1x768xf32, #tpu.memory_space<vmem>>, vector<1x1x16xf32>,
    %get3A_337 = vector.shape_cast %get3A_336 : vector<1x1x16xf32> to vector<16xf32>
    %get3A_338 = arith.constant 0 : i32
    %get3A_339 = arith.constant 0 : i32
    %get3A_340 = arith.index_cast %get3A_338 : i32 to index
    %get3A_341 = arith.index_cast %get3A_339 : i32 to index
    %get3A_342 = arith.constant 736 : index
    %get3A_343 = tpu.vector_load %arg6[%get3A_340, %get3A_341, %get3A_342] {strides = array<i32>} : memref<128x1x768xf32, #tpu.memory_space<vmem>>, vector<1x1x16xf32>,
    %get3A_344 = vector.shape_cast %get3A_343 : vector<1x1x16xf32> to vector<16xf32>
    %get3A_345 = arith.constant 0 : i32
    %get3A_346 = arith.constant 0 : i32
    %get3A_347 = arith.index_cast %get3A_345 : i32 to index
    %get3A_348 = arith.index_cast %get3A_346 : i32 to index
    %get3A_349 = arith.constant 752 : index
    %get3A_350 = tpu.vector_load %arg6[%get3A_347, %get3A_348, %get3A_349] {strides = array<i32>} : memref<128x1x768xf32, #tpu.memory_space<vmem>>, vector<1x1x16xf32>,
    %get3A_351 = vector.shape_cast %get3A_350 : vector<1x1x16xf32> to vector<16xf32>
    %scan3A = arith.constant 0 : i32
    %scan3A_352 = arith.constant 8 : i32
    %scan3A_353 = arith.constant 120 : i32
    %scan3A_354 = arith.addi %scan3A_352, %scan3A_353 : i32
    %scan3A_355 = arith.constant 1 : i32
    scf.for %scan3A_365 = %scan3A_352 to %scan3A_354 step %scan3A_355  : i32 {
      %swap3A = arith.constant 0 : i32
      %swap3A_366 = arith.index_cast %scan3A_365 : i32 to index
      %swap3A_367 = arith.index_cast %swap3A : i32 to index
      %swap3A_368 = arith.constant 0 : index
      %swap3A_369 = tpu.vector_load %arg6[%swap3A_366, %swap3A_367, %swap3A_368] {strides = array<i32>} : memref<128x1x768xf32, #tpu.memory_space<vmem>>, vector<1x1x16xf32>,
      %swap3A_370 = vector.shape_cast %swap3A_369 : vector<1x1x16xf32> to vector<16xf32>
      %swap3A_371 = vector.shape_cast %get3A_22 : vector<16xf32> to vector<1x1x16xf32>
      tpu.vector_store %arg6[%swap3A_366, %swap3A_367, %swap3A_368], %swap3A_371 {strides = array<i32>} : memref<128x1x768xf32, #tpu.memory_space<vmem>>, vector<1x1x16xf32>,
      %swap3A_372 = arith.constant 0 : i32
      %swap3A_373 = arith.index_cast %scan3A_365 : i32 to index
      %swap3A_374 = arith.index_cast %swap3A_372 : i32 to index
      %swap3A_375 = arith.constant 16 : index
      %swap3A_376 = tpu.vector_load %arg6[%swap3A_373, %swap3A_374, %swap3A_375] {strides = array<i32>} : memref<128x1x768xf32, #tpu.memory_space<vmem>>, vector<1x1x16xf32>,
      %swap3A_377 = vector.shape_cast %swap3A_376 : vector<1x1x16xf32> to vector<16xf32>
      %swap3A_378 = vector.shape_cast %get3A_29 : vector<16xf32> to vector<1x1x16xf32>
      tpu.vector_store %arg6[%swap3A_373, %swap3A_374, %swap3A_375], %swap3A_378 {strides = array<i32>} : memref<128x1x768xf32, #tpu.memory_space<vmem>>, vector<1x1x16xf32>,
      %swap3A_379 = arith.constant 0 : i32
      %swap3A_380 = arith.index_cast %scan3A_365 : i32 to index
      %swap3A_381 = arith.index_cast %swap3A_379 : i32 to index
      %swap3A_382 = arith.constant 32 : index
      %swap3A_383 = tpu.vector_load %arg6[%swap3A_380, %swap3A_381, %swap3A_382] {strides = array<i32>} : memref<128x1x768xf32, #tpu.memory_space<vmem>>, vector<1x1x16xf32>,
      %swap3A_384 = vector.shape_cast %swap3A_383 : vector<1x1x16xf32> to vector<16xf32>
      %swap3A_385 = vector.shape_cast %get3A_36 : vector<16xf32> to vector<1x1x16xf32>
      tpu.vector_store %arg6[%swap3A_380, %swap3A_381, %swap3A_382], %swap3A_385 {strides = array<i32>} : memref<128x1x768xf32, #tpu.memory_space<vmem>>, vector<1x1x16xf32>,
      %swap3A_386 = arith.constant 0 : i32
      %swap3A_387 = arith.index_cast %scan3A_365 : i32 to index
      %swap3A_388 = arith.index_cast %swap3A_386 : i32 to index
      %swap3A_389 = arith.constant 48 : index
      %swap3A_390 = tpu.vector_load %arg6[%swap3A_387, %swap3A_388, %swap3A_389] {strides = array<i32>} : memref<128x1x768xf32, #tpu.memory_space<vmem>>, vector<1x1x16xf32>,
      %swap3A_391 = vector.shape_cast %swap3A_390 : vector<1x1x16xf32> to vector<16xf32>
      %swap3A_392 = vector.shape_cast %get3A_43 : vector<16xf32> to vector<1x1x16xf32>
      tpu.vector_store %arg6[%swap3A_387, %swap3A_388, %swap3A_389], %swap3A_392 {strides = array<i32>} : memref<128x1x768xf32, #tpu.memory_space<vmem>>, vector<1x1x16xf32>,
      %swap3A_393 = arith.constant 0 : i32
      %swap3A_394 = arith.index_cast %scan3A_365 : i32 to index
      %swap3A_395 = arith.index_cast %swap3A_393 : i32 to index
      %swap3A_396 = arith.constant 64 : index
      %swap3A_397 = tpu.vector_load %arg6[%swap3A_394, %swap3A_395, %swap3A_396] {strides = array<i32>} : memref<128x1x768xf32, #tpu.memory_space<vmem>>, vector<1x1x16xf32>,
      %swap3A_398 = vector.shape_cast %swap3A_397 : vector<1x1x16xf32> to vector<16xf32>
      %swap3A_399 = vector.shape_cast %get3A_50 : vector<16xf32> to vector<1x1x16xf32>
      tpu.vector_store %arg6[%swap3A_394, %swap3A_395, %swap3A_396], %swap3A_399 {strides = array<i32>} : memref<128x1x768xf32, #tpu.memory_space<vmem>>, vector<1x1x16xf32>,
      %swap3A_400 = arith.constant 0 : i32
      %swap3A_401 = arith.index_cast %scan3A_365 : i32 to index
      %swap3A_402 = arith.index_cast %swap3A_400 : i32 to index
      %swap3A_403 = arith.constant 80 : index
      %swap3A_404 = tpu.vector_load %arg6[%swap3A_401, %swap3A_402, %swap3A_403] {strides = array<i32>} : memref<128x1x768xf32, #tpu.memory_space<vmem>>, vector<1x1x16xf32>,
      %swap3A_405 = vector.shape_cast %swap3A_404 : vector<1x1x16xf32> to vector<16xf32>
      %swap3A_406 = vector.shape_cast %get3A_57 : vector<16xf32> to vector<1x1x16xf32>
      tpu.vector_store %arg6[%swap3A_401, %swap3A_402, %swap3A_403], %swap3A_406 {strides = array<i32>} : memref<128x1x768xf32, #tpu.memory_space<vmem>>, vector<1x1x16xf32>,
      %swap3A_407 = arith.constant 0 : i32
      %swap3A_408 = arith.index_cast %scan3A_365 : i32 to index
      %swap3A_409 = arith.index_cast %swap3A_407 : i32 to index
      %swap3A_410 = arith.constant 96 : index
      %swap3A_411 = tpu.vector_load %arg6[%swap3A_408, %swap3A_409, %swap3A_410] {strides = array<i32>} : memref<128x1x768xf32, #tpu.memory_space<vmem>>, vector<1x1x16xf32>,
      %swap3A_412 = vector.shape_cast %swap3A_411 : vector<1x1x16xf32> to vector<16xf32>
      %swap3A_413 = vector.shape_cast %get3A_64 : vector<16xf32> to vector<1x1x16xf32>
      tpu.vector_store %arg6[%swap3A_408, %swap3A_409, %swap3A_410], %swap3A_413 {strides = array<i32>} : memref<128x1x768xf32, #tpu.memory_space<vmem>>, vector<1x1x16xf32>,
      %swap3A_414 = arith.constant 0 : i32
      %swap3A_415 = arith.index_cast %scan3A_365 : i32 to index
      %swap3A_416 = arith.index_cast %swap3A_414 : i32 to index
      %swap3A_417 = arith.constant 112 : index
      %swap3A_418 = tpu.vector_load %arg6[%swap3A_415, %swap3A_416, %swap3A_417] {strides = array<i32>} : memref<128x1x768xf32, #tpu.memory_space<vmem>>, vector<1x1x16xf32>,
      %swap3A_419 = vector.shape_cast %swap3A_418 : vector<1x1x16xf32> to vector<16xf32>
      %swap3A_420 = vector.shape_cast %get3A_71 : vector<16xf32> to vector<1x1x16xf32>
      tpu.vector_store %arg6[%swap3A_415, %swap3A_416, %swap3A_417], %swap3A_420 {strides = array<i32>} : memref<128x1x768xf32, #tpu.memory_space<vmem>>, vector<1x1x16xf32>,
      %swap3A_421 = arith.constant 0 : i32
      %swap3A_422 = arith.index_cast %scan3A_365 : i32 to index
      %swap3A_423 = arith.index_cast %swap3A_421 : i32 to index
      %swap3A_424 = arith.constant 128 : index
      %swap3A_425 = tpu.vector_load %arg6[%swap3A_422, %swap3A_423, %swap3A_424] {strides = array<i32>} : memref<128x1x768xf32, #tpu.memory_space<vmem>>, vector<1x1x16xf32>,
      %swap3A_426 = vector.shape_cast %swap3A_425 : vector<1x1x16xf32> to vector<16xf32>
      %swap3A_427 = vector.shape_cast %get3A_78 : vector<16xf32> to vector<1x1x16xf32>
      tpu.vector_store %arg6[%swap3A_422, %swap3A_423, %swap3A_424], %swap3A_427 {strides = array<i32>} : memref<128x1x768xf32, #tpu.memory_space<vmem>>, vector<1x1x16xf32>,
      %swap3A_428 = arith.constant 0 : i32
      %swap3A_429 = arith.index_cast %scan3A_365 : i32 to index
      %swap3A_430 = arith.index_cast %swap3A_428 : i32 to index
      %swap3A_431 = arith.constant 144 : index
      %swap3A_432 = tpu.vector_load %arg6[%swap3A_429, %swap3A_430, %swap3A_431] {strides = array<i32>} : memref<128x1x768xf32, #tpu.memory_space<vmem>>, vector<1x1x16xf32>,
      %swap3A_433 = vector.shape_cast %swap3A_432 : vector<1x1x16xf32> to vector<16xf32>
      %swap3A_434 = vector.shape_cast %get3A_85 : vector<16xf32> to vector<1x1x16xf32>
      tpu.vector_store %arg6[%swap3A_429, %swap3A_430, %swap3A_431], %swap3A_434 {strides = array<i32>} : memref<128x1x768xf32, #tpu.memory_space<vmem>>, vector<1x1x16xf32>,
      %swap3A_435 = arith.constant 0 : i32
      %swap3A_436 = arith.index_cast %scan3A_365 : i32 to index
      %swap3A_437 = arith.index_cast %swap3A_435 : i32 to index
      %swap3A_438 = arith.constant 160 : index
      %swap3A_439 = tpu.vector_load %arg6[%swap3A_436, %swap3A_437, %swap3A_438] {strides = array<i32>} : memref<128x1x768xf32, #tpu.memory_space<vmem>>, vector<1x1x16xf32>,
      %swap3A_440 = vector.shape_cast %swap3A_439 : vector<1x1x16xf32> to vector<16xf32>
      %swap3A_441 = vector.shape_cast %get3A_92 : vector<16xf32> to vector<1x1x16xf32>
      tpu.vector_store %arg6[%swap3A_436, %swap3A_437, %swap3A_438], %swap3A_441 {strides = array<i32>} : memref<128x1x768xf32, #tpu.memory_space<vmem>>, vector<1x1x16xf32>,
      %swap3A_442 = arith.constant 0 : i32
      %swap3A_443 = arith.index_cast %scan3A_365 : i32 to index
      %swap3A_444 = arith.index_cast %swap3A_442 : i32 to index
      %swap3A_445 = arith.constant 176 : index
      %swap3A_446 = tpu.vector_load %arg6[%swap3A_443, %swap3A_444, %swap3A_445] {strides = array<i32>} : memref<128x1x768xf32, #tpu.memory_space<vmem>>, vector<1x1x16xf32>,
      %swap3A_447 = vector.shape_cast %swap3A_446 : vector<1x1x16xf32> to vector<16xf32>
      %swap3A_448 = vector.shape_cast %get3A_99 : vector<16xf32> to vector<1x1x16xf32>
      tpu.vector_store %arg6[%swap3A_443, %swap3A_444, %swap3A_445], %swap3A_448 {strides = array<i32>} : memref<128x1x768xf32, #tpu.memory_space<vmem>>, vector<1x1x16xf32>,
      %swap3A_449 = arith.constant 0 : i32
      %swap3A_450 = arith.index_cast %scan3A_365 : i32 to index
      %swap3A_451 = arith.index_cast %swap3A_449 : i32 to index
      %swap3A_452 = arith.constant 192 : index
      %swap3A_453 = tpu.vector_load %arg6[%swap3A_450, %swap3A_451, %swap3A_452] {strides = array<i32>} : memref<128x1x768xf32, #tpu.memory_space<vmem>>, vector<1x1x16xf32>,
      %swap3A_454 = vector.shape_cast %swap3A_453 : vector<1x1x16xf32> to vector<16xf32>
      %swap3A_455 = vector.shape_cast %get3A_106 : vector<16xf32> to vector<1x1x16xf32>
      tpu.vector_store %arg6[%swap3A_450, %swap3A_451, %swap3A_452], %swap3A_455 {strides = array<i32>} : memref<128x1x768xf32, #tpu.memory_space<vmem>>, vector<1x1x16xf32>,
      %swap3A_456 = arith.constant 0 : i32
      %swap3A_457 = arith.index_cast %scan3A_365 : i32 to index
      %swap3A_458 = arith.index_cast %swap3A_456 : i32 to index
      %swap3A_459 = arith.constant 208 : index
      %swap3A_460 = tpu.vector_load %arg6[%swap3A_457, %swap3A_458, %swap3A_459] {strides = array<i32>} : memref<128x1x768xf32, #tpu.memory_space<vmem>>, vector<1x1x16xf32>,
      %swap3A_461 = vector.shape_cast %swap3A_460 : vector<1x1x16xf32> to vector<16xf32>
      %swap3A_462 = vector.shape_cast %get3A_113 : vector<16xf32> to vector<1x1x16xf32>
      tpu.vector_store %arg6[%swap3A_457, %swap3A_458, %swap3A_459], %swap3A_462 {strides = array<i32>} : memref<128x1x768xf32, #tpu.memory_space<vmem>>, vector<1x1x16xf32>,
      %swap3A_463 = arith.constant 0 : i32
      %swap3A_464 = arith.index_cast %scan3A_365 : i32 to index
      %swap3A_465 = arith.index_cast %swap3A_463 : i32 to index
      %swap3A_466 = arith.constant 224 : index
      %swap3A_467 = tpu.vector_load %arg6[%swap3A_464, %swap3A_465, %swap3A_466] {strides = array<i32>} : memref<128x1x768xf32, #tpu.memory_space<vmem>>, vector<1x1x16xf32>,
      %swap3A_468 = vector.shape_cast %swap3A_467 : vector<1x1x16xf32> to vector<16xf32>
      %swap3A_469 = vector.shape_cast %get3A_120 : vector<16xf32> to vector<1x1x16xf32>
      tpu.vector_store %arg6[%swap3A_464, %swap3A_465, %swap3A_466], %swap3A_469 {strides = array<i32>} : memref<128x1x768xf32, #tpu.memory_space<vmem>>, vector<1x1x16xf32>,
      %swap3A_470 = arith.constant 0 : i32
      %swap3A_471 = arith.index_cast %scan3A_365 : i32 to index
      %swap3A_472 = arith.index_cast %swap3A_470 : i32 to index
      %swap3A_473 = arith.constant 240 : index
      %swap3A_474 = tpu.vector_load %arg6[%swap3A_471, %swap3A_472, %swap3A_473] {strides = array<i32>} : memref<128x1x768xf32, #tpu.memory_space<vmem>>, vector<1x1x16xf32>,
      %swap3A_475 = vector.shape_cast %swap3A_474 : vector<1x1x16xf32> to vector<16xf32>
      %swap3A_476 = vector.shape_cast %get3A_127 : vector<16xf32> to vector<1x1x16xf32>
      tpu.vector_store %arg6[%swap3A_471, %swap3A_472, %swap3A_473], %swap3A_476 {strides = array<i32>} : memref<128x1x768xf32, #tpu.memory_space<vmem>>, vector<1x1x16xf32>,
      %swap3A_477 = arith.constant 0 : i32
      %swap3A_478 = arith.index_cast %scan3A_365 : i32 to index
      %swap3A_479 = arith.index_cast %swap3A_477 : i32 to index
      %swap3A_480 = arith.constant 256 : index
      %swap3A_481 = tpu.vector_load %arg6[%swap3A_478, %swap3A_479, %swap3A_480] {strides = array<i32>} : memref<128x1x768xf32, #tpu.memory_space<vmem>>, vector<1x1x16xf32>,
      %swap3A_482 = vector.shape_cast %swap3A_481 : vector<1x1x16xf32> to vector<16xf32>
      %swap3A_483 = vector.shape_cast %get3A_134 : vector<16xf32> to vector<1x1x16xf32>
      tpu.vector_store %arg6[%swap3A_478, %swap3A_479, %swap3A_480], %swap3A_483 {strides = array<i32>} : memref<128x1x768xf32, #tpu.memory_space<vmem>>, vector<1x1x16xf32>,
      %swap3A_484 = arith.constant 0 : i32
      %swap3A_485 = arith.index_cast %scan3A_365 : i32 to index
      %swap3A_486 = arith.index_cast %swap3A_484 : i32 to index
      %swap3A_487 = arith.constant 272 : index
      %swap3A_488 = tpu.vector_load %arg6[%swap3A_485, %swap3A_486, %swap3A_487] {strides = array<i32>} : memref<128x1x768xf32, #tpu.memory_space<vmem>>, vector<1x1x16xf32>,
      %swap3A_489 = vector.shape_cast %swap3A_488 : vector<1x1x16xf32> to vector<16xf32>
      %swap3A_490 = vector.shape_cast %get3A_141 : vector<16xf32> to vector<1x1x16xf32>
      tpu.vector_store %arg6[%swap3A_485, %swap3A_486, %swap3A_487], %swap3A_490 {strides = array<i32>} : memref<128x1x768xf32, #tpu.memory_space<vmem>>, vector<1x1x16xf32>,
      %swap3A_491 = arith.constant 0 : i32
      %swap3A_492 = arith.index_cast %scan3A_365 : i32 to index
      %swap3A_493 = arith.index_cast %swap3A_491 : i32 to index
      %swap3A_494 = arith.constant 288 : index
      %swap3A_495 = tpu.vector_load %arg6[%swap3A_492, %swap3A_493, %swap3A_494] {strides = array<i32>} : memref<128x1x768xf32, #tpu.memory_space<vmem>>, vector<1x1x16xf32>,
      %swap3A_496 = vector.shape_cast %swap3A_495 : vector<1x1x16xf32> to vector<16xf32>
      %swap3A_497 = vector.shape_cast %get3A_148 : vector<16xf32> to vector<1x1x16xf32>
      tpu.vector_store %arg6[%swap3A_492, %swap3A_493, %swap3A_494], %swap3A_497 {strides = array<i32>} : memref<128x1x768xf32, #tpu.memory_space<vmem>>, vector<1x1x16xf32>,
      %swap3A_498 = arith.constant 0 : i32
      %swap3A_499 = arith.index_cast %scan3A_365 : i32 to index
      %swap3A_500 = arith.index_cast %swap3A_498 : i32 to index
      %swap3A_501 = arith.constant 304 : index
      %swap3A_502 = tpu.vector_load %arg6[%swap3A_499, %swap3A_500, %swap3A_501] {strides = array<i32>} : memref<128x1x768xf32, #tpu.memory_space<vmem>>, vector<1x1x16xf32>,
      %swap3A_503 = vector.shape_cast %swap3A_502 : vector<1x1x16xf32> to vector<16xf32>
      %swap3A_504 = vector.shape_cast %get3A_155 : vector<16xf32> to vector<1x1x16xf32>
      tpu.vector_store %arg6[%swap3A_499, %swap3A_500, %swap3A_501], %swap3A_504 {strides = array<i32>} : memref<128x1x768xf32, #tpu.memory_space<vmem>>, vector<1x1x16xf32>,
      %swap3A_505 = arith.constant 0 : i32
      %swap3A_506 = arith.index_cast %scan3A_365 : i32 to index
      %swap3A_507 = arith.index_cast %swap3A_505 : i32 to index
      %swap3A_508 = arith.constant 320 : index
      %swap3A_509 = tpu.vector_load %arg6[%swap3A_506, %swap3A_507, %swap3A_508] {strides = array<i32>} : memref<128x1x768xf32, #tpu.memory_space<vmem>>, vector<1x1x16xf32>,
      %swap3A_510 = vector.shape_cast %swap3A_509 : vector<1x1x16xf32> to vector<16xf32>
      %swap3A_511 = vector.shape_cast %get3A_162 : vector<16xf32> to vector<1x1x16xf32>
      tpu.vector_store %arg6[%swap3A_506, %swap3A_507, %swap3A_508], %swap3A_511 {strides = array<i32>} : memref<128x1x768xf32, #tpu.memory_space<vmem>>, vector<1x1x16xf32>,
      %swap3A_512 = arith.constant 0 : i32
      %swap3A_513 = arith.index_cast %scan3A_365 : i32 to index
      %swap3A_514 = arith.index_cast %swap3A_512 : i32 to index
      %swap3A_515 = arith.constant 336 : index
      %swap3A_516 = tpu.vector_load %arg6[%swap3A_513, %swap3A_514, %swap3A_515] {strides = array<i32>} : memref<128x1x768xf32, #tpu.memory_space<vmem>>, vector<1x1x16xf32>,
      %swap3A_517 = vector.shape_cast %swap3A_516 : vector<1x1x16xf32> to vector<16xf32>
      %swap3A_518 = vector.shape_cast %get3A_169 : vector<16xf32> to vector<1x1x16xf32>
      tpu.vector_store %arg6[%swap3A_513, %swap3A_514, %swap3A_515], %swap3A_518 {strides = array<i32>} : memref<128x1x768xf32, #tpu.memory_space<vmem>>, vector<1x1x16xf32>,
      %swap3A_519 = arith.constant 0 : i32
      %swap3A_520 = arith.index_cast %scan3A_365 : i32 to index
      %swap3A_521 = arith.index_cast %swap3A_519 : i32 to index
      %swap3A_522 = arith.constant 352 : index
      %swap3A_523 = tpu.vector_load %arg6[%swap3A_520, %swap3A_521, %swap3A_522] {strides = array<i32>} : memref<128x1x768xf32, #tpu.memory_space<vmem>>, vector<1x1x16xf32>,
      %swap3A_524 = vector.shape_cast %swap3A_523 : vector<1x1x16xf32> to vector<16xf32>
      %swap3A_525 = vector.shape_cast %get3A_176 : vector<16xf32> to vector<1x1x16xf32>
      tpu.vector_store %arg6[%swap3A_520, %swap3A_521, %swap3A_522], %swap3A_525 {strides = array<i32>} : memref<128x1x768xf32, #tpu.memory_space<vmem>>, vector<1x1x16xf32>,
      %swap3A_526 = arith.constant 0 : i32
      %swap3A_527 = arith.index_cast %scan3A_365 : i32 to index
      %swap3A_528 = arith.index_cast %swap3A_526 : i32 to index
      %swap3A_529 = arith.constant 368 : index
      %swap3A_530 = tpu.vector_load %arg6[%swap3A_527, %swap3A_528, %swap3A_529] {strides = array<i32>} : memref<128x1x768xf32, #tpu.memory_space<vmem>>, vector<1x1x16xf32>,
      %swap3A_531 = vector.shape_cast %swap3A_530 : vector<1x1x16xf32> to vector<16xf32>
      %swap3A_532 = vector.shape_cast %get3A_183 : vector<16xf32> to vector<1x1x16xf32>
      tpu.vector_store %arg6[%swap3A_527, %swap3A_528, %swap3A_529], %swap3A_532 {strides = array<i32>} : memref<128x1x768xf32, #tpu.memory_space<vmem>>, vector<1x1x16xf32>,
      %swap3A_533 = arith.constant 0 : i32
      %swap3A_534 = arith.index_cast %scan3A_365 : i32 to index
      %swap3A_535 = arith.index_cast %swap3A_533 : i32 to index
      %swap3A_536 = arith.constant 384 : index
      %swap3A_537 = tpu.vector_load %arg6[%swap3A_534, %swap3A_535, %swap3A_536] {strides = array<i32>} : memref<128x1x768xf32, #tpu.memory_space<vmem>>, vector<1x1x16xf32>,
      %swap3A_538 = vector.shape_cast %swap3A_537 : vector<1x1x16xf32> to vector<16xf32>
      %swap3A_539 = vector.shape_cast %get3A_190 : vector<16xf32> to vector<1x1x16xf32>
      tpu.vector_store %arg6[%swap3A_534, %swap3A_535, %swap3A_536], %swap3A_539 {strides = array<i32>} : memref<128x1x768xf32, #tpu.memory_space<vmem>>, vector<1x1x16xf32>,
      %swap3A_540 = arith.constant 0 : i32
      %swap3A_541 = arith.index_cast %scan3A_365 : i32 to index
      %swap3A_542 = arith.index_cast %swap3A_540 : i32 to index
      %swap3A_543 = arith.constant 400 : index
      %swap3A_544 = tpu.vector_load %arg6[%swap3A_541, %swap3A_542, %swap3A_543] {strides = array<i32>} : memref<128x1x768xf32, #tpu.memory_space<vmem>>, vector<1x1x16xf32>,
      %swap3A_545 = vector.shape_cast %swap3A_544 : vector<1x1x16xf32> to vector<16xf32>
      %swap3A_546 = vector.shape_cast %get3A_197 : vector<16xf32> to vector<1x1x16xf32>
      tpu.vector_store %arg6[%swap3A_541, %swap3A_542, %swap3A_543], %swap3A_546 {strides = array<i32>} : memref<128x1x768xf32, #tpu.memory_space<vmem>>, vector<1x1x16xf32>,
      %swap3A_547 = arith.constant 0 : i32
      %swap3A_548 = arith.index_cast %scan3A_365 : i32 to index
      %swap3A_549 = arith.index_cast %swap3A_547 : i32 to index
      %swap3A_550 = arith.constant 416 : index
      %swap3A_551 = tpu.vector_load %arg6[%swap3A_548, %swap3A_549, %swap3A_550] {strides = array<i32>} : memref<128x1x768xf32, #tpu.memory_space<vmem>>, vector<1x1x16xf32>,
      %swap3A_552 = vector.shape_cast %swap3A_551 : vector<1x1x16xf32> to vector<16xf32>
      %swap3A_553 = vector.shape_cast %get3A_204 : vector<16xf32> to vector<1x1x16xf32>
      tpu.vector_store %arg6[%swap3A_548, %swap3A_549, %swap3A_550], %swap3A_553 {strides = array<i32>} : memref<128x1x768xf32, #tpu.memory_space<vmem>>, vector<1x1x16xf32>,
      %swap3A_554 = arith.constant 0 : i32
      %swap3A_555 = arith.index_cast %scan3A_365 : i32 to index
      %swap3A_556 = arith.index_cast %swap3A_554 : i32 to index
      %swap3A_557 = arith.constant 432 : index
      %swap3A_558 = tpu.vector_load %arg6[%swap3A_555, %swap3A_556, %swap3A_557] {strides = array<i32>} : memref<128x1x768xf32, #tpu.memory_space<vmem>>, vector<1x1x16xf32>,
      %swap3A_559 = vector.shape_cast %swap3A_558 : vector<1x1x16xf32> to vector<16xf32>
      %swap3A_560 = vector.shape_cast %get3A_211 : vector<16xf32> to vector<1x1x16xf32>
      tpu.vector_store %arg6[%swap3A_555, %swap3A_556, %swap3A_557], %swap3A_560 {strides = array<i32>} : memref<128x1x768xf32, #tpu.memory_space<vmem>>, vector<1x1x16xf32>,
      %swap3A_561 = arith.constant 0 : i32
      %swap3A_562 = arith.index_cast %scan3A_365 : i32 to index
      %swap3A_563 = arith.index_cast %swap3A_561 : i32 to index
      %swap3A_564 = arith.constant 448 : index
      %swap3A_565 = tpu.vector_load %arg6[%swap3A_562, %swap3A_563, %swap3A_564] {strides = array<i32>} : memref<128x1x768xf32, #tpu.memory_space<vmem>>, vector<1x1x16xf32>,
      %swap3A_566 = vector.shape_cast %swap3A_565 : vector<1x1x16xf32> to vector<16xf32>
      %swap3A_567 = vector.shape_cast %get3A_218 : vector<16xf32> to vector<1x1x16xf32>
      tpu.vector_store %arg6[%swap3A_562, %swap3A_563, %swap3A_564], %swap3A_567 {strides = array<i32>} : memref<128x1x768xf32, #tpu.memory_space<vmem>>, vector<1x1x16xf32>,
      %swap3A_568 = arith.constant 0 : i32
      %swap3A_569 = arith.index_cast %scan3A_365 : i32 to index
      %swap3A_570 = arith.index_cast %swap3A_568 : i32 to index
      %swap3A_571 = arith.constant 464 : index
      %swap3A_572 = tpu.vector_load %arg6[%swap3A_569, %swap3A_570, %swap3A_571] {strides = array<i32>} : memref<128x1x768xf32, #tpu.memory_space<vmem>>, vector<1x1x16xf32>,
      %swap3A_573 = vector.shape_cast %swap3A_572 : vector<1x1x16xf32> to vector<16xf32>
      %swap3A_574 = vector.shape_cast %get3A_225 : vector<16xf32> to vector<1x1x16xf32>
      tpu.vector_store %arg6[%swap3A_569, %swap3A_570, %swap3A_571], %swap3A_574 {strides = array<i32>} : memref<128x1x768xf32, #tpu.memory_space<vmem>>, vector<1x1x16xf32>,
      %swap3A_575 = arith.constant 0 : i32
      %swap3A_576 = arith.index_cast %scan3A_365 : i32 to index
      %swap3A_577 = arith.index_cast %swap3A_575 : i32 to index
      %swap3A_578 = arith.constant 480 : index
      %swap3A_579 = tpu.vector_load %arg6[%swap3A_576, %swap3A_577, %swap3A_578] {strides = array<i32>} : memref<128x1x768xf32, #tpu.memory_space<vmem>>, vector<1x1x16xf32>,
      %swap3A_580 = vector.shape_cast %swap3A_579 : vector<1x1x16xf32> to vector<16xf32>
      %swap3A_581 = vector.shape_cast %get3A_232 : vector<16xf32> to vector<1x1x16xf32>
      tpu.vector_store %arg6[%swap3A_576, %swap3A_577, %swap3A_578], %swap3A_581 {strides = array<i32>} : memref<128x1x768xf32, #tpu.memory_space<vmem>>, vector<1x1x16xf32>,
      %swap3A_582 = arith.constant 0 : i32
      %swap3A_583 = arith.index_cast %scan3A_365 : i32 to index
      %swap3A_584 = arith.index_cast %swap3A_582 : i32 to index
      %swap3A_585 = arith.constant 496 : index
      %swap3A_586 = tpu.vector_load %arg6[%swap3A_583, %swap3A_584, %swap3A_585] {strides = array<i32>} : memref<128x1x768xf32, #tpu.memory_space<vmem>>, vector<1x1x16xf32>,
      %swap3A_587 = vector.shape_cast %swap3A_586 : vector<1x1x16xf32> to vector<16xf32>
      %swap3A_588 = vector.shape_cast %get3A_239 : vector<16xf32> to vector<1x1x16xf32>
      tpu.vector_store %arg6[%swap3A_583, %swap3A_584, %swap3A_585], %swap3A_588 {strides = array<i32>} : memref<128x1x768xf32, #tpu.memory_space<vmem>>, vector<1x1x16xf32>,
      %swap3A_589 = arith.constant 0 : i32
      %swap3A_590 = arith.index_cast %scan3A_365 : i32 to index
      %swap3A_591 = arith.index_cast %swap3A_589 : i32 to index
      %swap3A_592 = arith.constant 512 : index
      %swap3A_593 = tpu.vector_load %arg6[%swap3A_590, %swap3A_591, %swap3A_592] {strides = array<i32>} : memref<128x1x768xf32, #tpu.memory_space<vmem>>, vector<1x1x16xf32>,
      %swap3A_594 = vector.shape_cast %swap3A_593 : vector<1x1x16xf32> to vector<16xf32>
      %swap3A_595 = vector.shape_cast %get3A_246 : vector<16xf32> to vector<1x1x16xf32>
      tpu.vector_store %arg6[%swap3A_590, %swap3A_591, %swap3A_592], %swap3A_595 {strides = array<i32>} : memref<128x1x768xf32, #tpu.memory_space<vmem>>, vector<1x1x16xf32>,
      %swap3A_596 = arith.constant 0 : i32
      %swap3A_597 = arith.index_cast %scan3A_365 : i32 to index
      %swap3A_598 = arith.index_cast %swap3A_596 : i32 to index
      %swap3A_599 = arith.constant 528 : index
      %swap3A_600 = tpu.vector_load %arg6[%swap3A_597, %swap3A_598, %swap3A_599] {strides = array<i32>} : memref<128x1x768xf32, #tpu.memory_space<vmem>>, vector<1x1x16xf32>,
      %swap3A_601 = vector.shape_cast %swap3A_600 : vector<1x1x16xf32> to vector<16xf32>
      %swap3A_602 = vector.shape_cast %get3A_253 : vector<16xf32> to vector<1x1x16xf32>
      tpu.vector_store %arg6[%swap3A_597, %swap3A_598, %swap3A_599], %swap3A_602 {strides = array<i32>} : memref<128x1x768xf32, #tpu.memory_space<vmem>>, vector<1x1x16xf32>,
      %swap3A_603 = arith.constant 0 : i32
      %swap3A_604 = arith.index_cast %scan3A_365 : i32 to index
      %swap3A_605 = arith.index_cast %swap3A_603 : i32 to index
      %swap3A_606 = arith.constant 544 : index
      %swap3A_607 = tpu.vector_load %arg6[%swap3A_604, %swap3A_605, %swap3A_606] {strides = array<i32>} : memref<128x1x768xf32, #tpu.memory_space<vmem>>, vector<1x1x16xf32>,
      %swap3A_608 = vector.shape_cast %swap3A_607 : vector<1x1x16xf32> to vector<16xf32>
      %swap3A_609 = vector.shape_cast %get3A_260 : vector<16xf32> to vector<1x1x16xf32>
      tpu.vector_store %arg6[%swap3A_604, %swap3A_605, %swap3A_606], %swap3A_609 {strides = array<i32>} : memref<128x1x768xf32, #tpu.memory_space<vmem>>, vector<1x1x16xf32>,
      %swap3A_610 = arith.constant 0 : i32
      %swap3A_611 = arith.index_cast %scan3A_365 : i32 to index
      %swap3A_612 = arith.index_cast %swap3A_610 : i32 to index
      %swap3A_613 = arith.constant 560 : index
      %swap3A_614 = tpu.vector_load %arg6[%swap3A_611, %swap3A_612, %swap3A_613] {strides = array<i32>} : memref<128x1x768xf32, #tpu.memory_space<vmem>>, vector<1x1x16xf32>,
      %swap3A_615 = vector.shape_cast %swap3A_614 : vector<1x1x16xf32> to vector<16xf32>
      %swap3A_616 = vector.shape_cast %get3A_267 : vector<16xf32> to vector<1x1x16xf32>
      tpu.vector_store %arg6[%swap3A_611, %swap3A_612, %swap3A_613], %swap3A_616 {strides = array<i32>} : memref<128x1x768xf32, #tpu.memory_space<vmem>>, vector<1x1x16xf32>,
      %swap3A_617 = arith.constant 0 : i32
      %swap3A_618 = arith.index_cast %scan3A_365 : i32 to index
      %swap3A_619 = arith.index_cast %swap3A_617 : i32 to index
      %swap3A_620 = arith.constant 576 : index
      %swap3A_621 = tpu.vector_load %arg6[%swap3A_618, %swap3A_619, %swap3A_620] {strides = array<i32>} : memref<128x1x768xf32, #tpu.memory_space<vmem>>, vector<1x1x16xf32>,
      %swap3A_622 = vector.shape_cast %swap3A_621 : vector<1x1x16xf32> to vector<16xf32>
      %swap3A_623 = vector.shape_cast %get3A_274 : vector<16xf32> to vector<1x1x16xf32>
      tpu.vector_store %arg6[%swap3A_618, %swap3A_619, %swap3A_620], %swap3A_623 {strides = array<i32>} : memref<128x1x768xf32, #tpu.memory_space<vmem>>, vector<1x1x16xf32>,
      %swap3A_624 = arith.constant 0 : i32
      %swap3A_625 = arith.index_cast %scan3A_365 : i32 to index
      %swap3A_626 = arith.index_cast %swap3A_624 : i32 to index
      %swap3A_627 = arith.constant 592 : index
      %swap3A_628 = tpu.vector_load %arg6[%swap3A_625, %swap3A_626, %swap3A_627] {strides = array<i32>} : memref<128x1x768xf32, #tpu.memory_space<vmem>>, vector<1x1x16xf32>,
      %swap3A_629 = vector.shape_cast %swap3A_628 : vector<1x1x16xf32> to vector<16xf32>
      %swap3A_630 = vector.shape_cast %get3A_281 : vector<16xf32> to vector<1x1x16xf32>
      tpu.vector_store %arg6[%swap3A_625, %swap3A_626, %swap3A_627], %swap3A_630 {strides = array<i32>} : memref<128x1x768xf32, #tpu.memory_space<vmem>>, vector<1x1x16xf32>,
      %swap3A_631 = arith.constant 0 : i32
      %swap3A_632 = arith.index_cast %scan3A_365 : i32 to index
      %swap3A_633 = arith.index_cast %swap3A_631 : i32 to index
      %swap3A_634 = arith.constant 608 : index
      %swap3A_635 = tpu.vector_load %arg6[%swap3A_632, %swap3A_633, %swap3A_634] {strides = array<i32>} : memref<128x1x768xf32, #tpu.memory_space<vmem>>, vector<1x1x16xf32>,
      %swap3A_636 = vector.shape_cast %swap3A_635 : vector<1x1x16xf32> to vector<16xf32>
      %swap3A_637 = vector.shape_cast %get3A_288 : vector<16xf32> to vector<1x1x16xf32>
      tpu.vector_store %arg6[%swap3A_632, %swap3A_633, %swap3A_634], %swap3A_637 {strides = array<i32>} : memref<128x1x768xf32, #tpu.memory_space<vmem>>, vector<1x1x16xf32>,
      %swap3A_638 = arith.constant 0 : i32
      %swap3A_639 = arith.index_cast %scan3A_365 : i32 to index
      %swap3A_640 = arith.index_cast %swap3A_638 : i32 to index
      %swap3A_641 = arith.constant 624 : index
      %swap3A_642 = tpu.vector_load %arg6[%swap3A_639, %swap3A_640, %swap3A_641] {strides = array<i32>} : memref<128x1x768xf32, #tpu.memory_space<vmem>>, vector<1x1x16xf32>,
      %swap3A_643 = vector.shape_cast %swap3A_642 : vector<1x1x16xf32> to vector<16xf32>
      %swap3A_644 = vector.shape_cast %get3A_295 : vector<16xf32> to vector<1x1x16xf32>
      tpu.vector_store %arg6[%swap3A_639, %swap3A_640, %swap3A_641], %swap3A_644 {strides = array<i32>} : memref<128x1x768xf32, #tpu.memory_space<vmem>>, vector<1x1x16xf32>,
      %swap3A_645 = arith.constant 0 : i32
      %swap3A_646 = arith.index_cast %scan3A_365 : i32 to index
      %swap3A_647 = arith.index_cast %swap3A_645 : i32 to index
      %swap3A_648 = arith.constant 640 : index
      %swap3A_649 = tpu.vector_load %arg6[%swap3A_646, %swap3A_647, %swap3A_648] {strides = array<i32>} : memref<128x1x768xf32, #tpu.memory_space<vmem>>, vector<1x1x16xf32>,
      %swap3A_650 = vector.shape_cast %swap3A_649 : vector<1x1x16xf32> to vector<16xf32>
      %swap3A_651 = vector.shape_cast %get3A_302 : vector<16xf32> to vector<1x1x16xf32>
      tpu.vector_store %arg6[%swap3A_646, %swap3A_647, %swap3A_648], %swap3A_651 {strides = array<i32>} : memref<128x1x768xf32, #tpu.memory_space<vmem>>, vector<1x1x16xf32>,
      %swap3A_652 = arith.constant 0 : i32
      %swap3A_653 = arith.index_cast %scan3A_365 : i32 to index
      %swap3A_654 = arith.index_cast %swap3A_652 : i32 to index
      %swap3A_655 = arith.constant 656 : index
      %swap3A_656 = tpu.vector_load %arg6[%swap3A_653, %swap3A_654, %swap3A_655] {strides = array<i32>} : memref<128x1x768xf32, #tpu.memory_space<vmem>>, vector<1x1x16xf32>,
      %swap3A_657 = vector.shape_cast %swap3A_656 : vector<1x1x16xf32> to vector<16xf32>
      %swap3A_658 = vector.shape_cast %get3A_309 : vector<16xf32> to vector<1x1x16xf32>
      tpu.vector_store %arg6[%swap3A_653, %swap3A_654, %swap3A_655], %swap3A_658 {strides = array<i32>} : memref<128x1x768xf32, #tpu.memory_space<vmem>>, vector<1x1x16xf32>,
      %swap3A_659 = arith.constant 0 : i32
      %swap3A_660 = arith.index_cast %scan3A_365 : i32 to index
      %swap3A_661 = arith.index_cast %swap3A_659 : i32 to index
      %swap3A_662 = arith.constant 672 : index
      %swap3A_663 = tpu.vector_load %arg6[%swap3A_660, %swap3A_661, %swap3A_662] {strides = array<i32>} : memref<128x1x768xf32, #tpu.memory_space<vmem>>, vector<1x1x16xf32>,
      %swap3A_664 = vector.shape_cast %swap3A_663 : vector<1x1x16xf32> to vector<16xf32>
      %swap3A_665 = vector.shape_cast %get3A_316 : vector<16xf32> to vector<1x1x16xf32>
      tpu.vector_store %arg6[%swap3A_660, %swap3A_661, %swap3A_662], %swap3A_665 {strides = array<i32>} : memref<128x1x768xf32, #tpu.memory_space<vmem>>, vector<1x1x16xf32>,
      %swap3A_666 = arith.constant 0 : i32
      %swap3A_667 = arith.index_cast %scan3A_365 : i32 to index
      %swap3A_668 = arith.index_cast %swap3A_666 : i32 to index
      %swap3A_669 = arith.constant 688 : index
      %swap3A_670 = tpu.vector_load %arg6[%swap3A_667, %swap3A_668, %swap3A_669] {strides = array<i32>} : memref<128x1x768xf32, #tpu.memory_space<vmem>>, vector<1x1x16xf32>,
      %swap3A_671 = vector.shape_cast %swap3A_670 : vector<1x1x16xf32> to vector<16xf32>
      %swap3A_672 = vector.shape_cast %get3A_323 : vector<16xf32> to vector<1x1x16xf32>
      tpu.vector_store %arg6[%swap3A_667, %swap3A_668, %swap3A_669], %swap3A_672 {strides = array<i32>} : memref<128x1x768xf32, #tpu.memory_space<vmem>>, vector<1x1x16xf32>,
      %swap3A_673 = arith.constant 0 : i32
      %swap3A_674 = arith.index_cast %scan3A_365 : i32 to index
      %swap3A_675 = arith.index_cast %swap3A_673 : i32 to index
      %swap3A_676 = arith.constant 704 : index
      %swap3A_677 = tpu.vector_load %arg6[%swap3A_674, %swap3A_675, %swap3A_676] {strides = array<i32>} : memref<128x1x768xf32, #tpu.memory_space<vmem>>, vector<1x1x16xf32>,
      %swap3A_678 = vector.shape_cast %swap3A_677 : vector<1x1x16xf32> to vector<16xf32>
      %swap3A_679 = vector.shape_cast %get3A_330 : vector<16xf32> to vector<1x1x16xf32>
      tpu.vector_store %arg6[%swap3A_674, %swap3A_675, %swap3A_676], %swap3A_679 {strides = array<i32>} : memref<128x1x768xf32, #tpu.memory_space<vmem>>, vector<1x1x16xf32>,
      %swap3A_680 = arith.constant 0 : i32
      %swap3A_681 = arith.index_cast %scan3A_365 : i32 to index
      %swap3A_682 = arith.index_cast %swap3A_680 : i32 to index
      %swap3A_683 = arith.constant 720 : index
      %swap3A_684 = tpu.vector_load %arg6[%swap3A_681, %swap3A_682, %swap3A_683] {strides = array<i32>} : memref<128x1x768xf32, #tpu.memory_space<vmem>>, vector<1x1x16xf32>,
      %swap3A_685 = vector.shape_cast %swap3A_684 : vector<1x1x16xf32> to vector<16xf32>
      %swap3A_686 = vector.shape_cast %get3A_337 : vector<16xf32> to vector<1x1x16xf32>
      tpu.vector_store %arg6[%swap3A_681, %swap3A_682, %swap3A_683], %swap3A_686 {strides = array<i32>} : memref<128x1x768xf32, #tpu.memory_space<vmem>>, vector<1x1x16xf32>,
      %swap3A_687 = arith.constant 0 : i32
      %swap3A_688 = arith.index_cast %scan3A_365 : i32 to index
      %swap3A_689 = arith.index_cast %swap3A_687 : i32 to index
      %swap3A_690 = arith.constant 736 : index
      %swap3A_691 = tpu.vector_load %arg6[%swap3A_688, %swap3A_689, %swap3A_690] {strides = array<i32>} : memref<128x1x768xf32, #tpu.memory_space<vmem>>, vector<1x1x16xf32>,
      %swap3A_692 = vector.shape_cast %swap3A_691 : vector<1x1x16xf32> to vector<16xf32>
      %swap3A_693 = vector.shape_cast %get3A_344 : vector<16xf32> to vector<1x1x16xf32>
      tpu.vector_store %arg6[%swap3A_688, %swap3A_689, %swap3A_690], %swap3A_693 {strides = array<i32>} : memref<128x1x768xf32, #tpu.memory_space<vmem>>, vector<1x1x16xf32>,
      %swap3A_694 = arith.constant 0 : i32
      %swap3A_695 = arith.index_cast %scan3A_365 : i32 to index
      %swap3A_696 = arith.index_cast %swap3A_694 : i32 to index
      %swap3A_697 = arith.constant 752 : index
      %swap3A_698 = tpu.vector_load %arg6[%swap3A_695, %swap3A_696, %swap3A_697] {strides = array<i32>} : memref<128x1x768xf32, #tpu.memory_space<vmem>>, vector<1x1x16xf32>,
      %swap3A_699 = vector.shape_cast %swap3A_698 : vector<1x1x16xf32> to vector<16xf32>
      %swap3A_700 = vector.shape_cast %get3A_351 : vector<16xf32> to vector<1x1x16xf32>
      tpu.vector_store %arg6[%swap3A_695, %swap3A_696, %swap3A_697], %swap3A_700 {strides = array<i32>} : memref<128x1x768xf32, #tpu.memory_space<vmem>>, vector<1x1x16xf32>,
    }
    %scan3A_356 = arith.constant 120 : i32
    %lt3A = arith.constant 4 : i32
    %lt3A_357 = arith.cmpi slt, %arg1, %lt3A : i32
    %convert_element_type3A = arith.extui %lt3A_357 : i1 to i32
    %cond3A = arith.constant 0 : i32
    %cond3A_358 = arith.cmpi ne, %convert_element_type3A, %cond3A : i32
    scf.if %cond3A_358 {
      %mul3A_365 = arith.constant 128 : i32
      %mul3A_366 = arith.muli %arg1, %mul3A_365 : i32
      "tpu.region"() ({
        %run_scoped3A = tpu.sem_alloc : memref<!tpu.dma_semaphore, #tpu.memory_space<semaphore_mem>>
        %dma_start3A_367 = arith.constant 0 : i32
        %dma_start3A_368 = arith.constant 0 : i32
        %dma_start3A_369 = tpu.memref_slice %arg7[%mul3A_366, %dma_start3A_367, %dma_start3A_368] : memref<512x1x768xf32, #tpu.memory_space<vmem_shared>> -> memref<128x1x768xf32, #tpu.memory_space<vmem_shared>>
        %dma_start3A_370 = arith.constant 0 : i32
        %dma_start3A_371 = arith.constant 0 : i32
        %dma_start3A_372 = tpu.memref_slice %arg7[%mul3A_366, %dma_start3A_370, %dma_start3A_371] : memref<512x1x768xf32, #tpu.memory_space<vmem_shared>> -> memref<128x1x768xf32, #tpu.memory_space<vmem_shared>>
        tpu.enqueue_dma source(%arg6 : memref<128x1x768xf32, #tpu.memory_space<vmem>>) target(%dma_start3A_372 : memref<128x1x768xf32, #tpu.memory_space<vmem_shared>>) target_semaphore(%run_scoped3A : memref<!tpu.dma_semaphore, #tpu.memory_space<semaphore_mem>>)
        %dma_wait3A_373 = arith.constant 0 : i32
        %dma_wait3A_374 = arith.constant 0 : i32
        %dma_wait3A_375 = tpu.memref_slice %arg7[%mul3A_366, %dma_wait3A_373, %dma_wait3A_374] : memref<512x1x768xf32, #tpu.memory_space<vmem_shared>> -> memref<128x1x768xf32, #tpu.memory_space<vmem_shared>>
        %dma_wait3A_376 = arith.constant 0 : i32
        %dma_wait3A_377 = arith.constant 0 : i32
        %dma_wait3A_378 = tpu.memref_slice %arg7[%mul3A_366, %dma_wait3A_376, %dma_wait3A_377] : memref<512x1x768xf32, #tpu.memory_space<vmem_shared>> -> memref<128x1x768xf32, #tpu.memory_space<vmem_shared>>
        tpu.wait_dma2 semaphore(%run_scoped3A : memref<!tpu.dma_semaphore, #tpu.memory_space<semaphore_mem>>) src(%arg6 : memref<128x1x768xf32, #tpu.memory_space<vmem>>) dst(%dma_wait3A_378 : memref<128x1x768xf32, #tpu.memory_space<vmem_shared>>)
        tpu.yield
      }) : () -> ()
    } else {
    }
    %barrier3A = arith.constant 0 : index
    tpu.barrier barrier_id(%barrier3A)
    %dma_start3A_359 = arith.constant 0 : i32
    %dma_start3A_360 = arith.constant 0 : i32
    %dma_start3A_361 = tpu.memref_slice %arg4[%add3A, %dma_start3A_359, %dma_start3A_360] : memref<16384x1x768xf32, #tpu.memory_space<hbm>> -> memref<512x1x768xf32, #tpu.memory_space<hbm>>
    tpu.enqueue_dma source(%arg7 : memref<512x1x768xf32, #tpu.memory_space<vmem_shared>>) target(%dma_start3A_361 : memref<512x1x768xf32, #tpu.memory_space<hbm>>) target_semaphore(%arg8 : memref<!tpu.dma_semaphore, #tpu.memory_space<semaphore_mem>>)
    %dma_wait3A_362 = arith.constant 0 : i32
    %dma_wait3A_363 = arith.constant 0 : i32
    %dma_wait3A_364 = tpu.memref_slice %arg4[%add3A, %dma_wait3A_362, %dma_wait3A_363] : memref<16384x1x768xf32, #tpu.memory_space<hbm>> -> memref<512x1x768xf32, #tpu.memory_space<hbm>>
    tpu.wait_dma2 semaphore(%arg8 : memref<!tpu.dma_semaphore, #tpu.memory_space<semaphore_mem>>) src(%arg7 : memref<512x1x768xf32, #tpu.memory_space<vmem_shared>>) dst(%dma_wait3A_364 : memref<512x1x768xf32, #tpu.memory_space<hbm>>)
    return
  }
}

module attributes {stable_mosaic.version = 14 : i64} {
  func.func @_copy_body(%arg0: i32, %arg1: memref<2048x768xf32, #tpu.memory_space<vmem>>, %arg2: memref<2048x768xf32, #tpu.memory_space<vmem>>) attributes {dimension_semantics = [#tpu.dimension_semantics<arbitrary>], iteration_bounds = array<i64: 8>, scalar_prefetch = 0 : i64, scratch_operands = 0 : i64, tpu.core_type = #tpu.core_type<tc>, window_params = [{transform_indices = @transform_0, window_bounds = array<i64: 2048, 768>}, {transform_indices = @transform_1, window_bounds = array<i64: 2048, 768>}]} {
    %get3A = arith.constant 0 : index
    %get3A_0 = arith.constant 0 : index
    %get3A_1 = vector.load %arg1[%get3A, %get3A_0] : memref<2048x768xf32, #tpu.memory_space<vmem>>, vector<2048x768xf32>
    %swap3A = arith.constant 0 : index
    %swap3A_2 = arith.constant 0 : index
    %swap3A_3 = vector.load %arg2[%swap3A, %swap3A_2] : memref<2048x768xf32, #tpu.memory_space<vmem>>, vector<2048x768xf32>
    tpu.vector_store %arg2[%swap3A, %swap3A_2], %get3A_1 {strides = array<i32>} : memref<2048x768xf32, #tpu.memory_space<vmem>>, vector<2048x768xf32>,
    return
  }
  func.func @transform_0(%arg0: i32) -> (i32, i32) {
    %c0_i32 = arith.constant 0 : i32
    %c0_i32_0 = arith.constant 0 : i32
    return %arg0, %c0_i32 : i32, i32
  }
  func.func @transform_1(%arg0: i32) -> (i32, i32) {
    %c0_i32 = arith.constant 0 : i32
    %c0_i32_0 = arith.constant 0 : i32
    return %arg0, %c0_i32 : i32, i32
  }
}

</mosaic_0001>

<sc_bundles>
// kernel: kernel.4.cloned.1.call-start
scs
__scs_entry_jumppad:
0x0: {  	(pc) =	sbr.rel $0x88, $3  }
0x1: {  	(tag) =	ssettag $0x0;
	lr =	simm.s32 $0x1  }
0x2: {  	[smem:$0x3F9D] =	sst lr;
	_ =	strace $0xD0000000  }
0x3: {  	_ = 	snop  }
0x4: {  	_ = 	snop  }
0x5: {  	_ = 	snop  }
0x6: {  	_ = 	snop  }
0x7: {  	_ = 	snop  }
__scs_overlays_trampoline_lowered:
0x8: {  	[smem:$0x3FAC] =	sst s0  }
0x9: {  	[smem:$0x3FAD] =	sst s1  }
0xa: {  	[smem:$0x3FAE] =	sst s2  }
0xb: {  	[smem:$0x3FAF] =	sst s3  }
0xc: {  	[smem:$0x3FB0] =	sst s4  }
0xd: {  	[smem:$0x3FB1] =	sst s5  }
0xe: {  	[smem:$0x3FB2] =	sst s6  }
0xf: {  	[smem:$0x3FB3] =	sst s7  }
0x10: {  	[smem:$0x3FB4] =	sst s8  }
0x11: {  	[smem:$0x3FB5] =	sst s9;
	s0 =	simm.s32 @!p0 $0x0  }
0x12: {  	s1 =	sld [smem:$0x3F9B];
	s0 =	simm.s32 @p0 $0x1  }
0x13: {  	[smem:$0x3FB6] =	sst s0;
	s0 =	simm.s32 @!p1 $0x0  }
0x14: {  	s2 =	sld [smem:$0x3F9A];
	s0 =	simm.s32 @p1 $0x1  }
0x15: {  	[smem:$0x3FB7] =	sst s0;
	s0 =	simm.s32 @!p2 $0x0  }
0x16: {  	s3 =	sld [smem:$0x3FDB];
	s0 =	simm.s32 @p2 $0x1  }
0x17: {  	s4 =	simm.s32 $0x1BF5;
	[smem:$0x3FB9] =	sst s0  }
0x18: {  	s0 =	sld [smem:$0x3F9C];
	_ =	swait.ge [sflag:s4], $0x0  }
0x19: {  	s7 =	sld [smem:$0x3F9D]  }
0x1a: {  	s8 =	sadd.s32 $0xFFFFE003, lr  }
0x1b: {  	s9 =	sadd.s32 $0xFFFFFEF7, lr;
	s5 =	simm.s32 $0xFFFFFFFF;
	p2 =	slt.u32 s8, $0xFFFFF086  }
0x1c: {  	p1 =	slt.u32 s9, $0xF7A;
	s5 =	simm.s32 @!p2 $0x0  }
0x1d: {  	s5 =	simm.s32 @p1 $0x1;
	p0 =	seq.s32 s7, s2  }
0x1e: {  	s7 =	smul.u32 @!p0 $0xF7A, s2;
	p2 =	seq.s32 @!p0 s5, $0x0  }
0x1f: {  	s9 =	smul.u32 $0xF7A, s1;
	s8 =	simm.s32 @!p0 $0x1BF5;
	p2 =	por !p2, p0  }
0x20: {  	[sflag:s8] =	ssyncset.s32 @!p0 $0xFFFFF086;
	s6 =	sadd.s32 @!p0 s3, s7;
	s7 =	simm.s32 @!p0 $0x108  }
0x21: {  	s3 =	sadd.s32 s3, s9;
	s6 =	sadd.s32 @!p0 $0x88, s6;
	s7 =	simm.s32 @p2 $0x1082  }
0x22: {  	[simem:s7], [sflag:s8] =	dma.local @!p0 [hbm:s6], $0xF7A  }
0x23: {  	s9 =	sor.u32 $0xD0000000, s2;
	s6 =	simm.s32 $0x108;
	_ =	swait.ge @!p0 [sflag:s8], $0x0  }
0x24: {  	s3 =	sadd.s32 $0x88, s3;
	s6 =	simm.s32 @!p1 $0x1082;
	[sflag:s4] =	ssyncset.s32 $0xFFFFF086  }
0x25: {  	[simem:s6], [sflag:s4] =	dma.local [hbm:s3], $0xF7A  }
0x26: {  	[smem:$0x3F9D] =	sst s1;
	(tag) =	ssettag s2;
	_ =	strace s9  }
0x27: {  	s1 =	sld [smem:$0x3FAD]  }
0x28: {  	s2 =	sld [smem:$0x3FAE]  }
0x29: {  	s4 =	sld [smem:$0x3FB0]  }
0x2a: {  	p0 =	seq.s32 s5, $0x0;
	s5 =	sld [smem:$0x3FB1]  }
0x2b: {  	s6 =	sld [smem:$0x3FB2]  }
0x2c: {  	s7 =	sld [smem:$0x3FB3]  }
0x2d: {  	s3 =	simm.s32 $0x108;
	s8 =	sld [smem:$0x3FB4]  }
0x2e: {  	s3 =	simm.s32 @!p0 $0x1082;
	s9 =	sld [smem:$0x3FB5]  }
0x2f: {  	lr =	sadd.s32 s0, s3;
	s0 =	sld [smem:$0x3FAC]  }
0x30: {  	s3 =	sld [smem:$0x3FAF]  }
0x31: {  	[smem:$0x3FB8] =	sst s10  }
0x32: {  	s10 =	sld [smem:$0x3FB6];
	_ =	sdelay $0x3  }
0x33: {  	p0 =	seq.s32 s10, $0x1;
	s10 =	sld [smem:$0x3FB8];
	_ =	sdelay $0x3  }
0x34: {  	[smem:$0x3FB8] =	sst s10  }
0x35: {  	s10 =	sld [smem:$0x3FB7];
	_ =	sdelay $0x3  }
0x36: {  	p1 =	seq.s32 s10, $0x1;
	s10 =	sld [smem:$0x3FB8];
	_ =	sdelay $0x3  }
0x37: {  	[smem:$0x3FB8] =	sst s10  }
0x38: {  	s10 =	sld [smem:$0x3FB9]  }
0x39: {  	_ = 	snop;
	(pc) =	sbr.ind lr, $3  }
0x3a: {  	_ = 	snop  }
0x3b: {  	_ = 	snop  }
0x3c: {  	p2 =	seq.s32 s10, $0x1;
	s10 =	sld [smem:$0x3FB8]  }
0x3d: {  	_ =	shalt  }
0x3e: {  	_ =	shalt  }
0x3f: {  	_ =	shalt  }
0x40: {  	_ =	shalt  }
0x41: {  	_ =	shalt  }
0x42: {  	_ =	shalt  }
0x43: {  	_ =	shalt  }
0x44: {  	_ =	shalt  }
0x45: {  	_ =	shalt  }
0x46: {  	_ =	shalt  }
0x47: {  	_ =	shalt  }
0x48: {  	_ =	shalt  }
0x49: {  	_ =	shalt  }
0x4a: {  	_ =	shalt  }
0x4b: {  	_ =	shalt  }
0x4c: {  	_ =	shalt  }
0x4d: {  	_ =	shalt  }
0x4e: {  	_ =	shalt  }
0x4f: {  	_ =	shalt  }
0x50: {  	_ =	shalt  }
0x51: {  	_ =	shalt  }
0x52: {  	_ =	shalt  }
0x53: {  	_ =	shalt  }
0x54: {  	_ =	shalt  }
0x55: {  	_ =	shalt  }
0x56: {  	_ =	shalt  }
0x57: {  	_ =	shalt  }
0x58: {  	_ =	shalt  }
0x59: {  	_ =	shalt  }
0x5a: {  	_ =	shalt  }
0x5b: {  	_ =	shalt  }
0x5c: {  	_ =	shalt  }
0x5d: {  	_ =	shalt  }
0x5e: {  	_ =	shalt  }
0x5f: {  	_ =	shalt  }
0x60: {  	_ =	shalt  }
0x61: {  	_ =	shalt  }
0x62: {  	_ =	shalt  }
0x63: {  	_ =	shalt  }
0x64: {  	_ =	shalt  }
0x65: {  	_ =	shalt  }
0x66: {  	_ =	shalt  }
0x67: {  	_ =	shalt  }
0x68: {  	_ =	shalt  }
0x69: {  	_ =	shalt  }
0x6a: {  	_ =	shalt  }
0x6b: {  	_ =	shalt  }
0x6c: {  	_ =	shalt  }
0x6d: {  	_ =	shalt  }
0x6e: {  	_ =	shalt  }
0x6f: {  	_ =	shalt  }
0x70: {  	_ =	shalt  }
0x71: {  	_ =	shalt  }
0x72: {  	_ =	shalt  }
0x73: {  	_ =	shalt  }
0x74: {  	_ =	shalt  }
0x75: {  	_ =	shalt  }
0x76: {  	_ =	shalt  }
0x77: {  	_ =	shalt  }
0x78: {  	_ =	shalt  }
0x79: {  	_ =	shalt  }
0x7a: {  	_ =	shalt  }
0x7b: {  	_ =	shalt  }
0x7c: {  	_ =	shalt  }
0x7d: {  	_ =	shalt  }
0x7e: {  	_ =	shalt  }
0x7f: {  	_ =	shalt  }
0x80: {  	_ =	shalt  }
0x81: {  	_ =	shalt  }
0x82: {  	_ =	shalt  }
0x83: {  	_ =	shalt  }
0x84: {  	_ =	shalt  }
0x85: {  	_ =	shalt  }
0x86: {  	_ =	shalt  }
0x87: {  	_ =	shalt  }
.Lfunc_end0:
.L_simem_size_0:
called_computation_lowered:
.L_overlay_start_0:
0x88: {  	s2 =	sld [smem:$0x3FD9]  }
0x89: {  	s3 =	sld [smem:$0x3FFE];
	_ =	sdelay $0x1  }
0x8a: {  	s1 =	srdreg.scid  }
0x8b: {  	s0 =	sand.u32 $0x1, s1  }
0x8c: {  	s14 =	sshll.u32 s0, $0xA;
	s2 =	sadd.s32 s3, s2  }
0x8d: {  	s2 =	sadd.s32 s2, s14  }
0x8e: {  	[smem:$0x3FC4] =	sst s2  }
0x8f: {  	_ = 	snop  }
0x90: {  	s2 =	sld [smem:$0x3FD0];
	_ =	sdelay $0x2  }
0x91: {  	s15 =	simm.s32 $0xA;
	s4 =	simm.s32 $0x10  }
0x92: {  	[smem:s4], [sflag:s15] =	dma.local [hbm:s2], $0x1  }
0x93: {  	_ =	swait.eq [sflag:s15], $0x1  }
0x94: {  	[sflag:s15] =	ssyncset.done $0x0  }
0x95: {  	[sflag:s15] =	ssyncadd.s32 $0xFFFFFFFF  }
0x96: {  	s16 =	sld [smem:$0x10];
	(tm) =	ssettm $0x1  }
0x97: {  	s17 =	sld [smem:$0x3FFB];
	_ =	sdelay $0x3  }
0x98: {  	_ =	strace s17  }
0x99: {  	s3 =	sld [smem:$0x3FFC];
	_ =	sdelay $0x3  }
0x9a: {  	_ =	strace s3  }
0x9b: {  	s3 =	sld [smem:$0x3FFD];
	_ =	sdelay $0x3  }
0x9c: {  	_ =	strace s3  }
0x9d: {  	_ =	strace $0x8FFFFFFF  }
0x9e: {  	s18 =	sld [smem:$0x3FDB];
	_ =	sdelay $0x1  }
0x9f: {  	s19 =	simm.s32 $_scs_section_size  }
0xa0: {  	s5 =	simm.s32 $_size__tile_overlayer_lowered;
	s6 =	simm.s32 $_tile_overlayer_lowered  }
0xa1: {  	s22 =	simm.s32 $0x1BFF;
	s21 =	sshll.u32 s6, $0x1;
	s3 =	sadd.s32 s19, s18  }
0xa2: {  	s7 =	simm.s32 $0x0;
	s20 =	sshll.u32 s5, $0x1;
	s5 =	sadd.s32 s21, s3  }
0xa3: {  	[timem:s7], [sflag:s22] =	dma.local [hbm:s5], s20  }
0xa4: {  	_ =	swait.ge [sflag:s22], s20  }
0xa5: {  	s4 =	ssub.s32 $0x0, s20;
	[sflag:s22] =	ssyncset.done $0x0  }
0xa6: {  	[sflag:s22] =	ssyncadd.s32 s4;
	_ =	sdelay $0x1  }
0xa7: {  	s23 =	simm.s32 $0x1B8B  }
0xa8: {  	_ =	swait.ge [sflag:s23], $0x1  }
0xa9: {  	[sflag:s23] =	ssyncset.done $0x0  }
0xaa: {  	s25 =	simm.s32 $0x1B8E;
	s24 =	sld [smem:$0x3FFE];
	[sflag:s23] =	ssyncadd.s32 $0xFFFFFFFF  }
0xab: {  	s26 =	simm.s32 $execute0_lowered;
	[smem:$0x3FD2] =	sst s25  }
0xac: {  	s5 =	sshll.u32 s26, $0x1;
	_ =	strace $0x80000046;
	[dreg:$0x1] =	wrdreg $0xFFFFFFFF  }
0xad: {  	s28 =	simm.s32 $_size_execute0_lowered;
	s3 =	sadd.s32 s3, s5;
	[dreg:$0x0] =	wrdreg $0x0  }
0xae: {  	s5 =	sshll.u32 s28, $0x1;
	[dreg:$0x2] =	wrdreg s3  }
0xaf: {  	[dreg:$0x3] =	wrdreg s5  }
0xb0: {  	[dreg:$0x4] =	wrdreg $0xC0  }
0xb1: {  	_ =	task [dreg:s7], $0x5FFFF  }
0xb2: {  	[dreg:$0x1] =	wrdreg $0xFFFFFFFF  }
0xb3: {  	[dreg:$0x0] =	wrdreg $0x60  }
0xb4: {  	[dreg:$0x2] =	wrdreg s24  }
0xb5: {  	[dreg:$0x3] =	wrdreg s16  }
0xb6: {  	[dreg:$0x4] =	wrdreg $0x180800  }
0xb7: {  	[dreg:$0x5] =	wrdreg $0x9  }
0xb8: {  	_ =	task.clear_ibuf [dreg:s7], $0x6FFFF;
	_ =	strace $0x90000046  }
0xb9: {  	s29 =	simm.s32 $0x9;
	_ =	strace $0x80000048  }
0xba: {  	_ =	swait.ge [sflag:s29], $0x1  }
0xbb: {  	[sflag:s29] =	ssyncadd.s32 $0xFFFFFFFF  }
0xbc: {  	_ =	strace $0x90000048  }
0xbd: {  	_ =	sfence  }
0xbe: {  	s30 =	sld [smem:$0x0];
	_ =	sdelay $0x2  }
0xbf: {  	s31 =	sshll.u32 s1, $0xD;
	s1 =	sshrl.u32 s1, $0x2  }
0xc0: {  	s3 =	sand.u32 $0x4000, s31;
	s1 =	sadd.s32 s1, s30  }
0xc1: {  	s0 =	sor.u32 s3, s0;
	s1 =	sshll.u32 s1, $0x11  }
0xc2: {  	s0 =	sor.u32 s1, s0  }
0xc3: {  	s0 =	sadd.s32 $0x8F2B, s0  }
0xc4: {  	[sflag:s0] =	ssyncadd.remote.s32 $0x1  }
0xc5: {  	_ =	sfence.sel $0xFFFF  }
0xc6: {  	[dreg:$0x0] =	wrdreg $0xFFFFFFFF;
	(pc) =	sbr.abs _section_cstart, $3  }
0xc7: {  	[dreg:$0x1] =	wrdreg $0xFFFFFFFF  }
0xc8: {  	_ =	task.clear_ibuf [dreg:s7], $0x2FFFF;
	_ =	strace $0x9FFFFFFF  }
0xc9: {  	(tm) =	ssettm $0x7FFFFFFF  }
tec
execute0_lowered:
.L_overlay_start_1:
0x0: {  	(tag) =	ssettag $0x1  }
0x1: {  	s4 =	rddreg [dreg:$0x0]  }
0x2: {  	s6 =	rddreg [dreg:$0x1]  }
0x3: {  	s13 =	rddreg [dreg:$0x2]  }
0x4: {  	s0 =	rddreg [dreg:$0x3];
	s2 =	simm.s32 $0x0;
	s3 =	srdreg.scid  }
0x5: {  	s1 =	stileid.u32;
	s11 =	simm.s32 $0x1;
	s14 =	simm.s32 $0x0  }
0x6: {  	[smem:$0x7FF] =	sst s2;
	s3 =	sand.u32 $0x1, s3;
	s7 =	sshll.u32 s1, $0x9  }
0x7: {  	s30 =	smul.u32 $0x60000, s1;
	p0 =	sgt.u32 s1, $0x3;
	s12 =	sshll.u32 s1, $0x6  }
0x8: {  	_ =	strace $0x80000047;
	s5 =	sshll.u32 s3, $0xD;
	s8 =	ssub.s32 $0x2, s3  }
0x9: {  	s3 =	sadd.s32 $0x400, s4;
	s4 =	sadd.s32 $0xA00, s4;
	s12 =	sor.u32 $0x1C01, s12  }
0xa: {  	s5 =	sor.u32 s7, s5;
	s9 =	sshrl.u32 s8, $0x1;
	s31 =	sshrl.u32 s30, $0x2  }
0xb: {  	s10 =	smul.u32 $0x60, s5;
	s8 =	ssub.s32 s8, s9;
	s5 =	sadd.s32 s31, s13  }
0xc: {  	s9 =	simm.s32 $0x8;
	s13 =	sshrl.u32 s13, $0x3;
	s7 =	smax.u32 s8, $0x1  }
0xd: {  	s8 =	simm.s32 $0x2;
	s6 =	sadd.s32 s6, s10;
	s10 =	simm.s32 $0x80  }
.LBB2_1:
0xe: {  	[tilespmem:s2], [sflag:$0x2] =	stream.linear.gather [hbm4b:s4+s2], $0x80, $0x38;
	[tilespmem:$0x1E080] =	vst v63  }
0xf: {  	_ =	swait.ge [sflag:s8], $0x80  }
0x10: {  	[sflag:s8] =	ssyncset.done $0x0  }
0x11: {  	[sflag:s8] =	ssyncadd.s32 $0xFFFFFF80  }
0x12: {  	[tilespmem:s10], [sflag:$0x1] =	stream.indirect.gather [hbm4b:s3+s9], $0x300, s2, s9, $0xb8;
	[tilespmem:$0x1E080] =	vst v63  }
0x13: {  	_ =	swait.ge [sflag:s11], $0x1800  }
0x14: {  	[sflag:s11] =	ssyncset.done $0x0  }
0x15: {  	[sflag:s11] =	ssyncadd.s32 $0xFFFFE800  }
0x16: {  	v0 =	vld [tilespmem:$0x80]  }
0x17: {  	v1 =	vld [tilespmem:$0x90]  }
0x18: {  	v2 =	vld [tilespmem:$0xA0]  }
0x19: {  	v3 =	vld [tilespmem:$0xB0]  }
0x1a: {  	v4 =	vld [tilespmem:$0xC0]  }
0x1b: {  	v5 =	vld [tilespmem:$0xD0]  }
0x1c: {  	v6 =	vld [tilespmem:$0xE0]  }
0x1d: {  	v7 =	vld [tilespmem:$0xF0]  }
0x1e: {  	v8 =	vld [tilespmem:$0x100]  }
0x1f: {  	v9 =	vld [tilespmem:$0x110]  }
0x20: {  	v10 =	vld [tilespmem:$0x120]  }
0x21: {  	v11 =	vld [tilespmem:$0x130]  }
0x22: {  	v12 =	vld [tilespmem:$0x140]  }
0x23: {  	v13 =	vld [tilespmem:$0x150]  }
0x24: {  	v14 =	vld [tilespmem:$0x160]  }
0x25: {  	v15 =	vld [tilespmem:$0x170]  }
0x26: {  	v16 =	vld [tilespmem:$0x180]  }
0x27: {  	v17 =	vld [tilespmem:$0x190]  }
0x28: {  	v18 =	vld [tilespmem:$0x1A0]  }
0x29: {  	v19 =	vld [tilespmem:$0x1B0]  }
0x2a: {  	v20 =	vld [tilespmem:$0x1C0]  }
0x2b: {  	v21 =	vld [tilespmem:$0x1D0]  }
0x2c: {  	v22 =	vld [tilespmem:$0x1E0]  }
0x2d: {  	v23 =	vld [tilespmem:$0x1F0]  }
0x2e: {  	v24 =	vld [tilespmem:$0x200]  }
0x2f: {  	v25 =	vld [tilespmem:$0x210]  }
0x30: {  	v26 =	vld [tilespmem:$0x220]  }
0x31: {  	v27 =	vld [tilespmem:$0x230]  }
0x32: {  	v28 =	vld [tilespmem:$0x240]  }
0x33: {  	v29 =	vld [tilespmem:$0x250]  }
0x34: {  	v30 =	vld [tilespmem:$0x260]  }
0x35: {  	v31 =	vld [tilespmem:$0x270]  }
0x36: {  	v32 =	vld [tilespmem:$0x280]  }
0x37: {  	v33 =	vld [tilespmem:$0x290]  }
0x38: {  	v34 =	vld [tilespmem:$0x2A0]  }
0x39: {  	v35 =	vld [tilespmem:$0x2B0]  }
0x3a: {  	v36 =	vld [tilespmem:$0x2C0]  }
0x3b: {  	v37 =	vld [tilespmem:$0x2D0]  }
0x3c: {  	v38 =	vld [tilespmem:$0x2E0]  }
0x3d: {  	v39 =	vld [tilespmem:$0x2F0]  }
0x3e: {  	v40 =	vld [tilespmem:$0x300]  }
0x3f: {  	v41 =	vld [tilespmem:$0x310]  }
0x40: {  	v42 =	vld [tilespmem:$0x320]  }
0x41: {  	v47 =	vld [tilespmem:$0x370]  }
0x42: {  	v43 =	vld [tilespmem:$0x330]  }
0x43: {  	v44 =	vld [tilespmem:$0x340]  }
0x44: {  	v45 =	vld [tilespmem:$0x350]  }
0x45: {  	s15 =	simm.s32 $0x1AF0;
	s16 =	simm.s32 $0x77C0;
	v46 =	vld [tilespmem:$0x360]  }
.LBB2_2:
0x46: {  	p1 =	sne.s32 s16, $0x5FFC0;
	[tilespmem:s15+$0x80] =	vst v47  }
0x47: {  	[tilespmem:s15+$0xFFFFFD90] =	vst v0  }
0x48: {  	[tilespmem:s15+$0xFFFFFDA0] =	vst v1  }
0x49: {  	[tilespmem:s15+$0xFFFFFDB0] =	vst v2  }
0x4a: {  	[tilespmem:s15+$0xFFFFFDC0] =	vst v3  }
0x4b: {  	[tilespmem:s15+$0xFFFFFDD0] =	vst v4  }
0x4c: {  	[tilespmem:s15+$0xFFFFFDE0] =	vst v5  }
0x4d: {  	[tilespmem:s15+$0xFFFFFDF0] =	vst v6  }
0x4e: {  	[tilespmem:s15+$0xFFFFFE00] =	vst v7  }
0x4f: {  	[tilespmem:s15+$0xFFFFFE10] =	vst v8  }
0x50: {  	[tilespmem:s15+$0xFFFFFE20] =	vst v9  }
0x51: {  	[tilespmem:s15+$0xFFFFFE30] =	vst v10  }
0x52: {  	[tilespmem:s15+$0xFFFFFE40] =	vst v11  }
0x53: {  	[tilespmem:s15+$0xFFFFFE50] =	vst v12  }
0x54: {  	[tilespmem:s15+$0xFFFFFE60] =	vst v13  }
0x55: {  	[tilespmem:s15+$0xFFFFFE70] =	vst v14  }
0x56: {  	[tilespmem:s15+$0xFFFFFE80] =	vst v15  }
0x57: {  	[tilespmem:s15+$0xFFFFFE90] =	vst v16  }
0x58: {  	[tilespmem:s15+$0xFFFFFEA0] =	vst v17  }
0x59: {  	[tilespmem:s15+$0xFFFFFEB0] =	vst v18  }
0x5a: {  	[tilespmem:s15+$0xFFFFFEC0] =	vst v19  }
0x5b: {  	[tilespmem:s15+$0xFFFFFED0] =	vst v20  }
0x5c: {  	[tilespmem:s15+$0xFFFFFEE0] =	vst v21  }
0x5d: {  	[tilespmem:s15+$0xFFFFFEF0] =	vst v22  }
0x5e: {  	[tilespmem:s15+$0xFFFFFF00] =	vst v23  }
0x5f: {  	[tilespmem:s15+$0xFFFFFF10] =	vst v24  }
0x60: {  	[tilespmem:s15+$0xFFFFFF20] =	vst v25  }
0x61: {  	[tilespmem:s15+$0xFFFFFF30] =	vst v26  }
0x62: {  	[tilespmem:s15+$0xFFFFFF40] =	vst v27  }
0x63: {  	[tilespmem:s15+$0xFFFFFF50] =	vst v28  }
0x64: {  	[tilespmem:s15+$0xFFFFFF60] =	vst v29  }
0x65: {  	[tilespmem:s15+$0xFFFFFF70] =	vst v30  }
0x66: {  	[tilespmem:s15+$0xFFFFFF80] =	vst v31  }
0x67: {  	[tilespmem:s15+$0xFFFFFF90] =	vst v32  }
0x68: {  	[tilespmem:s15+$0xFFFFFFA0] =	vst v33  }
0x69: {  	[tilespmem:s15+$0xFFFFFFB0] =	vst v34  }
0x6a: {  	[tilespmem:s15+$0xFFFFFFC0] =	vst v35  }
0x6b: {  	[tilespmem:s15+$0xFFFFFFD0] =	vst v36  }
0x6c: {  	[tilespmem:s15+$0xFFFFFFE0] =	vst v37  }
0x6d: {  	[tilespmem:s15+$0xFFFFFFF0] =	vst v38  }
0x6e: {  	[tilespmem:s15+$0x0] =	vst v39  }
0x6f: {  	[tilespmem:s15+$0x10] =	vst v40  }
0x70: {  	[tilespmem:s15+$0x20] =	vst v41  }
.Ltmp0:
0x71: {  	[tilespmem:s15+$0x30] =	vst v42;
	(pc) =	sbr.rel @p1 .LBB2_2-.Ltmp0, $4  }
0x72: {  	[tilespmem:s15+$0x40] =	vst v43  }
0x73: {  	[tilespmem:s15+$0x50] =	vst v44  }
0x74: {  	[tilespmem:s15+$0x60] =	vst v45  }
0x75: {  	[tilespmem:s15+$0x70] =	vst v46;
	s15 =	sshra.s32 s16, $0x2;
	s16 =	sadd.s32 $0xC00, s16  }
0x76: {  	[tilespmem:s15+$0x80] =	vst v47  }
0x77: {  	[tilespmem:s15+$0xFFFFFD90] =	vst v0  }
0x78: {  	[tilespmem:s15+$0xFFFFFDA0] =	vst v1  }
0x79: {  	[tilespmem:s15+$0xFFFFFDB0] =	vst v2  }
0x7a: {  	[tilespmem:s15+$0xFFFFFDC0] =	vst v3  }
0x7b: {  	[tilespmem:s15+$0xFFFFFDD0] =	vst v4  }
0x7c: {  	[tilespmem:s15+$0xFFFFFDE0] =	vst v5  }
0x7d: {  	[tilespmem:s15+$0xFFFFFDF0] =	vst v6  }
0x7e: {  	[tilespmem:s15+$0xFFFFFE00] =	vst v7  }
0x7f: {  	[tilespmem:s15+$0xFFFFFE10] =	vst v8  }
0x80: {  	[tilespmem:s15+$0xFFFFFE20] =	vst v9  }
0x81: {  	[tilespmem:s15+$0xFFFFFE30] =	vst v10  }
0x82: {  	[tilespmem:s15+$0xFFFFFE40] =	vst v11  }
0x83: {  	[tilespmem:s15+$0xFFFFFE50] =	vst v12  }
0x84: {  	[tilespmem:s15+$0xFFFFFE60] =	vst v13  }
0x85: {  	[tilespmem:s15+$0xFFFFFE70] =	vst v14  }
0x86: {  	[tilespmem:s15+$0xFFFFFE80] =	vst v15  }
0x87: {  	[tilespmem:s15+$0xFFFFFE90] =	vst v16  }
0x88: {  	[tilespmem:s15+$0xFFFFFEA0] =	vst v17  }
0x89: {  	[tilespmem:s15+$0xFFFFFEB0] =	vst v18  }
0x8a: {  	[tilespmem:s15+$0xFFFFFEC0] =	vst v19  }
0x8b: {  	[tilespmem:s15+$0xFFFFFED0] =	vst v20  }
0x8c: {  	[tilespmem:s15+$0xFFFFFEE0] =	vst v21  }
0x8d: {  	[tilespmem:s15+$0xFFFFFEF0] =	vst v22  }
0x8e: {  	[tilespmem:s15+$0xFFFFFF00] =	vst v23  }
0x8f: {  	[tilespmem:s15+$0xFFFFFF10] =	vst v24  }
0x90: {  	[tilespmem:s15+$0xFFFFFF20] =	vst v25  }
0x91: {  	[tilespmem:s15+$0xFFFFFF30] =	vst v26  }
0x92: {  	[tilespmem:s15+$0xFFFFFF40] =	vst v27  }
0x93: {  	[tilespmem:s15+$0xFFFFFF50] =	vst v28  }
0x94: {  	[tilespmem:s15+$0xFFFFFF60] =	vst v29  }
0x95: {  	[tilespmem:s15+$0xFFFFFF70] =	vst v30  }
0x96: {  	[tilespmem:s15+$0xFFFFFF80] =	vst v31  }
0x97: {  	[tilespmem:s15+$0xFFFFFF90] =	vst v32  }
0x98: {  	[tilespmem:s15+$0xFFFFFFA0] =	vst v33  }
0x99: {  	[tilespmem:s15+$0xFFFFFFB0] =	vst v34  }
0x9a: {  	[tilespmem:s15+$0xFFFFFFC0] =	vst v35  }
0x9b: {  	[tilespmem:s15+$0xFFFFFFD0] =	vst v36  }
0x9c: {  	[tilespmem:s15+$0xFFFFFFE0] =	vst v37  }
0x9d: {  	[tilespmem:s15+$0xFFFFFFF0] =	vst v38  }
0x9e: {  	[tilespmem:s15+$0x0] =	vst v39  }
0x9f: {  	[tilespmem:s15+$0x10] =	vst v40  }
0xa0: {  	[tilespmem:s15+$0x20] =	vst v41  }
0xa1: {  	[tilespmem:s15+$0x30] =	vst v42  }
0xa2: {  	[tilespmem:s15+$0x40] =	vst v43  }
0xa3: {  	[tilespmem:s15+$0x50] =	vst v44  }
0xa4: {  	[tilespmem:s15+$0x60] =	vst v45  }
0xa5: {  	[tilespmem:s15+$0x70] =	vst v46;
	s15 =	simm.s32 @!p0 $0x80  }
0xa6: {  	[spmem:s5] =	stream.linear.scatter @!p0 [tilespmem:s15], [sflag:$0x2], $0x18000, $0x38;
	[tilespmem:$0x1E080] =	vst v63  }
0xa7: {  	s15 =	simm.s32 @!p0 $0x2  }
0xa8: {  	_ =	swait.ge @!p0 [sflag:s15], $0x18000  }
0xa9: {  	s14 =	sadd.s32 $0x1, s14;
	[sflag:s15] =	ssyncset.done @!p0 $0x0  }
0xaa: {  	p1 =	sne.s32 s14, s7;
	[sflag:s15] =	ssyncadd.s32 @!p0 $0xFFFE8000  }
.Ltmp1:
0xab: {  	[bflag:$0x0] =	sbarrier.arrive $0xFFFF;
	(pc) =	sbr.rel @p1 .LBB2_1-.Ltmp1, $4  }
0xac: {  	[hbm:s6], [sflag:s12] =	dma.local [spmem:s13], $0xC000  }
0xad: {  	_ =	swait.ge [sflag:s11], $0xC000  }
0xae: {  	[sflag:s11] =	ssyncset.done $0x0  }
0xaf: {  	[sflag:s11] =	ssyncadd.s32 $0xFFFF4000  }
0xb0: {  	_ =	sfence.sel $0x180000  }
0xb1: {  	[bflag:$0x0] =	sbarrier.arrive $0xFFFF  }
0xb2: {  	p0 =	sne.s32 s1, $0x0;
	_ =	strace $0x90000047  }
0xb3: {  	s0 =	sadd.s32 @!p0 $0x100000, s0;
	[bflag:$0x2] =	sbarrier.arrive $0xFFFF  }
0xb4: {  	[sflag:s0] =	ssyncadd.tile.s32 @!p0 $0x1;
	_ =	shalt  }
.Lfunc_end2:
_tile_overlayer_lowered:
.L_overlay_start_2:
0xb5: {  	(tag) =	ssettag $0x2  }
0xb6: {  	s0 =	rddreg [dreg:$0x0];
	s2 =	stileid.u32  }
0xb7: {  	s1 =	rddreg [dreg:$0x1];
	p0 =	sne.s32 s2, $0x0  }
0xb8: {  	s3 =	rddreg [dreg:$0x2];
	[bflag:$0x3] =	sbarrier.arrive $0xFFFF;
	s2 =	simm.s32 @!p0 $0x1C02  }
0xb9: {  	[timem:s3], [sflag:s2] =	dma.local @!p0 [hbm:s0], s1  }
0xba: {  	s0 =	simm.s32 @!p0 $0x2  }
0xbb: {  	_ =	swait.ge @!p0 [sflag:s0], s1  }
0xbc: {  	s1 =	ssub.s32 @!p0 $0x0, s1;
	[sflag:s0] =	ssyncset.done @!p0 $0x0  }
0xbd: {  	[sflag:s0] =	ssyncadd.s32 @!p0 s1  }
0xbe: {  	[bflag:$0x3] =	sbarrier.arrive $0xFFFF  }
0xbf: {  	_ =	shalt  }

</sc_bundles>
